<compile_context>
chip_gen: v7x
topology: tpu7x:2x2x1
jax: 0.10.2.dev20260603
libtpu: 0.0.44.dev20260713+nightly
codegen_flags: <defaults>
</compile_context>

<pallas_src>
import functools

import jax
import jax.numpy as jnp
from jax import lax
from jax.experimental import pallas as pl
from jax.experimental.pallas import tpu as pltpu
from jax.experimental.pallas import tpu_sc as plsc

N = 10000
D = 128
NP = 10240
RW2 = 16
NWORK = 32
CH = 128
K = 79
EPAD = NWORK * K * CH
BN = 1024
RPS = NP // 16


DROW = 10016


def _hist_add(hist, dst_v, c, ones16):
    for j in range(CH // 16):
        dvec = dst_v[c, pl.ds(j * 16, 16)]
        rvec = lax.shift_right_logical(dvec, 7)
        cvec = lax.bitwise_and(dvec, 127)
        plsc.addupdate_scatter(hist, [rvec, cvec], ones16)


def _seg_body(rw, with_deg, table, *rest):
    if with_deg:
        (edges, out, e_v, dst_v, rows_v0, zbuf, hist, midx, acc, sem0) = rest
    else:
        (edges, out, e_v, dst_v, rows_v0, zbuf, acc, sem0) = rest
        hist = midx = None
    cid = lax.axis_index("c")
    sid = lax.axis_index("s")
    wid = cid * 16 + sid

    pltpu.sync_copy(edges.at[wid], e_v)

    def _unpack(i, _):
        k = i // (CH // 16)
        j = i % (CH // 16)
        p = e_v[k, pl.ds(j * 16, 16)]
        dst_v[k, pl.ds(j * 16, 16)] = lax.bitwise_and(p, 16383)
        e_v[k, pl.ds(j * 16, 16)] = lax.shift_right_logical(p, 14)
        return 0

    lax.fori_loop(0, K * (CH // 16), _unpack, 0)

    zero = jnp.zeros((16,), jnp.float32)
    ones16 = jnp.ones((16,), jnp.float32)
    for r in range(16):
        for c in range(rw // 16):
            zbuf[r, pl.ds(c * 16, 16)] = zero
    base = sid * RPS

    def _zero_step(k, _):
        pltpu.sync_copy(zbuf, acc.at[pl.ds(base + k * 16, 16)])
        return 0

    lax.fori_loop(0, RPS // 16, _zero_step, 0)

    if with_deg:
        def _zero_hist(i, _):
            r = i // (CH // 16)
            j = i % (CH // 16)
            hist[r, pl.ds(j * 16, 16)] = zero
            return 0

        lax.fori_loop(0, (NP // CH) * (CH // 16), _zero_hist, 0)
    plsc.subcore_barrier()

    def _chunk(c, _):
        pltpu.async_copy(table.at[e_v.at[c]], rows_v0, sem0).wait()
        pltpu.sync_copy(rows_v0, acc.at[dst_v.at[c]], add=True)
        if with_deg:
            _hist_add(hist, dst_v, c, ones16)
        return 0

    lax.fori_loop(0, K, _chunk, 0)
    plsc.subcore_barrier()

    if with_deg:
        def _merge(c, _):
            midx[pl.ds(0, 16)] = DROW + c * 16 + lax.iota(jnp.int32, 16)
            pltpu.sync_copy(hist.at[pl.ds(c * 16, 16)], acc.at[midx],
                            add=True)
            return 0

        lax.fori_loop(0, NP // CH // 16, _merge, 0)
        plsc.subcore_barrier()

    pltpu.sync_copy(acc.at[pl.ds(base, RPS)], out.at[cid, pl.ds(base, RPS)])


def _sc_segsum(table, edges, rw, with_deg):
    mesh = plsc.VectorSubcoreMesh(core_axis_name="c", subcore_axis_name="s")
    out_type = jax.ShapeDtypeStruct((2, NP, rw), jnp.float32)
    scratch = [
        pltpu.VMEM((K, CH), jnp.int32),
        pltpu.VMEM((K, CH), jnp.int32),
        pltpu.VMEM((CH, rw), jnp.float32),
        pltpu.VMEM((16, rw), jnp.float32),
    ]
    if with_deg:
        scratch += [
            pltpu.VMEM((NP // CH, CH), jnp.float32),
            pltpu.VMEM((16,), jnp.int32),
        ]
    scratch.append(pltpu.VMEM_SHARED((NP, rw), jnp.float32))
    scratch.append(pltpu.SemaphoreType.DMA)
    f = pl.kernel(
        functools.partial(_seg_body, rw, with_deg),
        out_type=out_type,
        mesh=mesh,
        compiler_params=pltpu.CompilerParams(use_tc_tiling_on_sc=False,
                                             needs_layout_passes=False),
        scratch_types=scratch,
    )
    return f(table, edges)


def _dense_body(x_ref, p_ref, pd_ref, w1s_ref, w1n_ref, b1_ref, w2s_ref,
                w2n_ref, b2_ref, q_ref):
    x = x_ref[...]
    a = p_ref[0] + p_ref[1]
    pd = pd_ref[...]
    deg = pd[:, 0:1] + pd[:, 1:2]
    neigh = a / jnp.maximum(deg, 1.0)
    h = jnp.dot(x, w1s_ref[...], preferred_element_type=jnp.float32)
    h += jnp.dot(neigh, w1n_ref[...], preferred_element_type=jnp.float32)
    h = jnp.maximum(h + b1_ref[...], 0.0)
    p2 = jnp.dot(h, w2n_ref[...], preferred_element_type=jnp.float32)
    hs = jnp.dot(h, w2s_ref[...], preferred_element_type=jnp.float32) + b2_ref[...]
    q_ref[...] = jnp.concatenate(
        [p2, hs, deg, jnp.zeros((x.shape[0], RW2 - 5), jnp.float32)], axis=1)


def _dense(x_pad, part1, pdeg_t, W1_self, W1_neigh, b1, W2_self, W2_neigh, b2):
    grid = (NP // BN,)
    return pl.pallas_call(
        _dense_body,
        grid=grid,
        in_specs=[
            pl.BlockSpec((BN, D), lambda i: (i, 0)),
            pl.BlockSpec((2, BN, D), lambda i: (0, i, 0)),
            pl.BlockSpec((BN, 2), lambda i: (i, 0)),
            pl.BlockSpec((D, D), lambda i: (0, 0)),
            pl.BlockSpec((D, D), lambda i: (0, 0)),
            pl.BlockSpec((1, D), lambda i: (0, 0)),
            pl.BlockSpec((D, 2), lambda i: (0, 0)),
            pl.BlockSpec((D, 2), lambda i: (0, 0)),
            pl.BlockSpec((1, 2), lambda i: (0, 0)),
        ],
        out_specs=pl.BlockSpec((BN, RW2), lambda i: (i, 0)),
        out_shape=jax.ShapeDtypeStruct((NP, RW2), jnp.float32),
    )(x_pad, part1, pdeg_t, W1_self, W1_neigh, b1.reshape(1, D), W2_self,
      W2_neigh, b2.reshape(1, 2))


def _combine_body(q_ref, p2_ref, out_ref):
    q = q_ref[...]
    a = p2_ref[0] + p2_ref[1]
    deg = jnp.maximum(q[:, 4:5], 1.0)
    out_ref[...] = q[:, 2:4] + a[:, 0:2] / deg


def _combine(q, part2):
    grid = (NP // BN,)
    return pl.pallas_call(
        _combine_body,
        grid=grid,
        in_specs=[
            pl.BlockSpec((BN, RW2), lambda i: (i, 0)),
            pl.BlockSpec((2, BN, RW2), lambda i: (0, i, 0)),
        ],
        out_specs=pl.BlockSpec((BN, 2), lambda i: (i, 0)),
        out_shape=jax.ShapeDtypeStruct((NP, 2), jnp.float32),
    )(q, part2)


def kernel(x, edge_index, W1_self, W1_neigh, b1, W2_self, W2_neigh, b2):
    src = edge_index[0].astype(jnp.int32)
    dst = edge_index[1].astype(jnp.int32)
    E = src.shape[0]

    packed = jnp.left_shift(src, 14) | dst
    edges = jnp.full((EPAD,), N, jnp.int32).at[:E].set(packed)
    edges = edges.reshape(NWORK, K, CH)

    x_pad = jnp.zeros((NP, D), jnp.float32).at[:N].set(x)

    part1 = _sc_segsum(x_pad, edges, D, True)
    pdeg = part1[:, DROW:DROW + NP // CH, :].reshape(2, NP)
    q = _dense(x_pad, part1, pdeg.T, W1_self, W1_neigh, b1, W2_self, W2_neigh,
               b2)
    part2 = _sc_segsum(q, edges, RW2, False)
    out = _combine(q, part2)
    return out[:N]

# --- scband reference (transcript-rebuilt; emitter-appended) ---
"""Pipeline reference for scband-graph-sage-29901562315014 (READ-ONLY COPY).

The authoritative reference and input builder live on the scoring server;
editing this copy changes nothing except your own understanding.
"""

import jax, jax.numpy as jnp
import numpy as np

N = 10000
E = 320000
D_IN = 128
D_H = 128
D_OUT = 2


def setup_inputs(seed: int = 0) -> dict:
    key = jax.random.key(seed)
    ks = jax.random.split(key, 8)
    x = jax.random.normal(ks[0], (N, D_IN), dtype=jnp.float32)
    edge_index = jax.random.randint(ks[1], (2, E), 0, N).astype(jnp.int64)
    W1_self = jax.random.normal(ks[2], (D_IN, D_H), dtype=jnp.float32) * (1.0 / np.sqrt(D_IN))
    W1_neigh = jax.random.normal(ks[3], (D_IN, D_H), dtype=jnp.float32) * (1.0 / np.sqrt(D_IN))
    b1 = jnp.zeros((D_H,), dtype=jnp.float32)
    W2_self = jax.random.normal(ks[4], (D_H, D_OUT), dtype=jnp.float32) * (1.0 / np.sqrt(D_H))
    W2_neigh = jax.random.normal(ks[5], (D_H, D_OUT), dtype=jnp.float32) * (1.0 / np.sqrt(D_H))
    b2 = jnp.zeros((D_OUT,), dtype=jnp.float32)
    return {
        'x': x,
        'edge_index': edge_index,
        'W1_self': W1_self,
        'W1_neigh': W1_neigh,
        'b1': b1,
        'W2_self': W2_self,
        'W2_neigh': W2_neigh,
        'b2': b2,
    }


def _sage_conv(h, edge_index, W_self, W_neigh, b):
    # DGL SAGEConv(aggregator_type='mean'):
    #   h_neigh = mean_{u in N(v)} h_u ; rst = fc_self(h_v) + fc_neigh(h_neigh) + bias
    src = edge_index[0]
    dst = edge_index[1]
    msgs = h[src]  # gather: [E, d]
    agg = jax.ops.segment_sum(msgs, dst, num_segments=N)  # scatter-add: [N, d]
    deg = jax.ops.segment_sum(jnp.ones((edge_index.shape[1],), dtype=h.dtype), dst, num_segments=N)
    h_neigh = agg / jnp.maximum(deg, 1.0)[:, None]
    return h @ W_self + h_neigh @ W_neigh + b


def reference(x, edge_index, W1_self, W1_neigh, b1, W2_self, W2_neigh, b2):
    h = _sage_conv(x, edge_index, W1_self, W1_neigh, b1)
    h = jax.nn.relu(h)
    # dropout is identity at inference
    out = _sage_conv(h, edge_index, W2_self, W2_neigh, b2)
    return out

if __name__ == "__main__":
    import jax
    _d = setup_inputs()
    print(jax.jit(kernel)(*tuple(_d.values())))

</pallas_src>

<mosaic_0001>
#map = affine_map<(d0, d1) -> (0, 0)>
#map1 = affine_map<(d0, d1) -> (0, 0, 0)>
module attributes {stable_mosaic.version = 14 : i64} {
  func.func @_seg_body(%arg0: i32, %arg1: i32, %arg2: memref<10240x128xf32, #tpu.memory_space<hbm>>, %arg3: memref<32x79x128xi32, #tpu.memory_space<hbm>>, %arg4: memref<2x10240x128xf32, #tpu.memory_space<hbm>>, %arg5: memref<79x128xi32, #tpu.memory_space<vmem>>, %arg6: memref<79x128xi32, #tpu.memory_space<vmem>>, %arg7: memref<128x128xf32, #tpu.memory_space<vmem>>, %arg8: memref<16x128xf32, #tpu.memory_space<vmem>>, %arg9: memref<80x128xf32, #tpu.memory_space<vmem>>, %arg10: memref<16xi32, #tpu.memory_space<vmem>>, %arg11: memref<10240x128xf32, #tpu.memory_space<vmem_shared>>, %arg12: memref<!tpu.dma_semaphore, #tpu.memory_space<semaphore_mem>>) attributes {dimension_semantics = [#tpu.dimension_semantics<core_parallel>, #tpu.dimension_semantics<subcore_parallel>], iteration_bounds = array<i64: 2, 16>, scalar_prefetch = 0 : i64, scratch_operands = 8 : i64, tpu.core_type = #tpu.core_type<sc_vector_subcore>, window_params = [{transform_indices = #map}, {transform_indices = #map1}, {transform_indices = #map1}]} {
    %mul3A = arith.constant 16 : i32
    %mul3A_0 = arith.muli %arg0, %mul3A : i32
    %add3A = arith.addi %mul3A_0, %arg1 : i32
    "tpu.region"() ({
      %run_scoped3A = tpu.sem_alloc : memref<!tpu.dma_semaphore, #tpu.memory_space<semaphore_mem>>
      %dma_start3A = arith.constant 0 : i32
      %dma_start3A_553 = arith.constant 0 : i32
      %dma_start3A_554 = tpu.memref_slice %arg3[%add3A, %dma_start3A, %dma_start3A_553] : memref<32x79x128xi32, #tpu.memory_space<hbm>> -> memref<1x79x128xi32, #tpu.memory_space<hbm>>
      %dma_start3A_555 = tpu.memref_squeeze %dma_start3A_554 : memref<1x79x128xi32, #tpu.memory_space<hbm>> -> memref<79x128xi32, #tpu.memory_space<hbm>>
      %dma_start3A_556 = arith.constant 0 : i32
      %dma_start3A_557 = arith.constant 0 : i32
      %dma_start3A_558 = tpu.memref_slice %arg3[%add3A, %dma_start3A_556, %dma_start3A_557] : memref<32x79x128xi32, #tpu.memory_space<hbm>> -> memref<1x79x128xi32, #tpu.memory_space<hbm>>
      %dma_start3A_559 = tpu.memref_squeeze %dma_start3A_558 : memref<1x79x128xi32, #tpu.memory_space<hbm>> -> memref<79x128xi32, #tpu.memory_space<hbm>>
      tpu.enqueue_dma source(%dma_start3A_559 : memref<79x128xi32, #tpu.memory_space<hbm>>) target(%arg5 : memref<79x128xi32, #tpu.memory_space<vmem>>) target_semaphore(%run_scoped3A : memref<!tpu.dma_semaphore, #tpu.memory_space<semaphore_mem>>)
      %dma_wait3A = arith.constant 0 : i32
      %dma_wait3A_560 = arith.constant 0 : i32
      %dma_wait3A_561 = tpu.memref_slice %arg3[%add3A, %dma_wait3A, %dma_wait3A_560] : memref<32x79x128xi32, #tpu.memory_space<hbm>> -> memref<1x79x128xi32, #tpu.memory_space<hbm>>
      %dma_wait3A_562 = tpu.memref_squeeze %dma_wait3A_561 : memref<1x79x128xi32, #tpu.memory_space<hbm>> -> memref<79x128xi32, #tpu.memory_space<hbm>>
      %dma_wait3A_563 = arith.constant 0 : i32
      %dma_wait3A_564 = arith.constant 0 : i32
      %dma_wait3A_565 = tpu.memref_slice %arg3[%add3A, %dma_wait3A_563, %dma_wait3A_564] : memref<32x79x128xi32, #tpu.memory_space<hbm>> -> memref<1x79x128xi32, #tpu.memory_space<hbm>>
      %dma_wait3A_566 = tpu.memref_squeeze %dma_wait3A_565 : memref<1x79x128xi32, #tpu.memory_space<hbm>> -> memref<79x128xi32, #tpu.memory_space<hbm>>
      tpu.wait_dma2 semaphore(%run_scoped3A : memref<!tpu.dma_semaphore, #tpu.memory_space<semaphore_mem>>) src(%dma_wait3A_566 : memref<79x128xi32, #tpu.memory_space<hbm>>) dst(%arg5 : memref<79x128xi32, #tpu.memory_space<vmem>>)
      tpu.yield
    }) : () -> ()
    %scan3A = arith.constant 0 : i32
    %scan3A_1 = arith.constant 0 : i32
    %scan3A_2 = arith.constant 632 : i32
    %scan3A_3 = arith.addi %scan3A_1, %scan3A_2 : i32
    %scan3A_4 = arith.constant 1 : i32
    %scan3A_5 = scf.for %scan3A_553 = %scan3A_1 to %scan3A_3 step %scan3A_4 iter_args(%scan3A_554 = %scan3A) -> (i32)  : i32 {
      %jit3A = arith.constant 8 : i32
      %div3A = arith.divsi %scan3A_553, %jit3A : i32
      %sign3A = arith.constant 0 : i32
      %sign3A_555 = arith.cmpi sgt, %scan3A_553, %sign3A : i32
      %sign3A_556 = arith.extui %sign3A_555 : i1 to i32
      %sign3A_557 = arith.constant 0 : i32
      %sign3A_558 = arith.cmpi slt, %scan3A_553, %sign3A_557 : i32
      %sign3A_559 = arith.extui %sign3A_558 : i1 to i32
      %sign3A_560 = arith.subi %sign3A_556, %sign3A_559 : i32
      %sign3A_561 = arith.constant 0 : i32
      %sign3A_562 = arith.cmpi sgt, %jit3A, %sign3A_561 : i32
      %sign3A_563 = arith.extui %sign3A_562 : i1 to i32
      %sign3A_564 = arith.constant 0 : i32
      %sign3A_565 = arith.cmpi slt, %jit3A, %sign3A_564 : i32
      %sign3A_566 = arith.extui %sign3A_565 : i1 to i32
      %sign3A_567 = arith.subi %sign3A_563, %sign3A_566 : i32
      %ne3A = arith.cmpi ne, %sign3A_560, %sign3A_567 : i32
      %rem3A = arith.remsi %scan3A_553, %jit3A : i32
      %ne3A_568 = arith.constant 0 : i32
      %ne3A_569 = arith.cmpi ne, %rem3A, %ne3A_568 : i32
      %and3A = arith.andi %ne3A, %ne3A_569 : i1
      %sub3A = arith.constant 1 : i32
      %sub3A_570 = arith.subi %div3A, %sub3A : i32
      %select_n3A = arith.select %and3A, %sub3A_570, %div3A : i32
      %jit3A_571 = arith.constant 8 : i32
      %eq3A = arith.constant 0 : i32
      %eq3A_572 = arith.cmpi eq, %jit3A_571, %eq3A : i32
      %jit3A_573 = arith.constant 1 : i32
      %select_n3A_574 = arith.select %eq3A_572, %jit3A_573, %jit3A_571 : i32
      %rem3A_575 = arith.remsi %scan3A_553, %select_n3A_574 : i32
      %ne3A_576 = arith.constant 0 : i32
      %ne3A_577 = arith.cmpi ne, %rem3A_575, %ne3A_576 : i32
      %lt3A = arith.constant 0 : i32
      %lt3A_578 = arith.cmpi slt, %rem3A_575, %lt3A : i32
      %lt3A_579 = arith.constant 0 : i32
      %lt3A_580 = arith.cmpi slt, %select_n3A_574, %lt3A_579 : i32
      %ne3A_581 = arith.xori %lt3A_578, %lt3A_580 : i1
      %and3A_582 = arith.andi %ne3A_581, %ne3A_577 : i1
      %add3A_583 = arith.addi %rem3A_575, %select_n3A_574 : i32
      %select_n3A_584 = arith.select %and3A_582, %add3A_583, %rem3A_575 : i32
      %mul3A_585 = arith.constant 16 : i32
      %mul3A_586 = arith.muli %select_n3A_584, %mul3A_585 : i32
      %get3A = arith.index_cast %select_n3A : i32 to index
      %get3A_587 = arith.index_cast %mul3A_586 : i32 to index
      %get3A_588 = tpu.vector_load %arg5[%get3A, %get3A_587] {strides = array<i32>} : memref<79x128xi32, #tpu.memory_space<vmem>>, vector<16xi32>,
      %and3A_589 = arith.constant 16383 : i32
      %and3A_590 = vector.broadcast %and3A_589 : i32 to vector<16xi32>
      %and3A_591 = arith.andi %get3A_588, %and3A_590 : vector<16xi32>
      %mul3A_592 = arith.constant 16 : i32
      %mul3A_593 = arith.muli %select_n3A_584, %mul3A_592 : i32
      %swap3A_594 = arith.index_cast %select_n3A : i32 to index
      %swap3A_595 = arith.index_cast %mul3A_593 : i32 to index
      %swap3A_596 = tpu.vector_load %arg6[%swap3A_594, %swap3A_595] {strides = array<i32>} : memref<79x128xi32, #tpu.memory_space<vmem>>, vector<16xi32>,
      tpu.vector_store %arg6[%swap3A_594, %swap3A_595], %and3A_591 {strides = array<i32>} : memref<79x128xi32, #tpu.memory_space<vmem>>, vector<16xi32>,
      %shift_right_logical3A = arith.constant 14 : i32
      %shift_right_logical3A_597 = vector.broadcast %shift_right_logical3A : i32 to vector<16xi32>
      %shift_right_logical3A_598 = arith.shrui %get3A_588, %shift_right_logical3A_597 : vector<16xi32>
      %mul3A_599 = arith.constant 16 : i32
      %mul3A_600 = arith.muli %select_n3A_584, %mul3A_599 : i32
      %swap3A_601 = arith.index_cast %select_n3A : i32 to index
      %swap3A_602 = arith.index_cast %mul3A_600 : i32 to index
      %swap3A_603 = tpu.vector_load %arg5[%swap3A_601, %swap3A_602] {strides = array<i32>} : memref<79x128xi32, #tpu.memory_space<vmem>>, vector<16xi32>,
      tpu.vector_store %arg5[%swap3A_601, %swap3A_602], %shift_right_logical3A_598 {strides = array<i32>} : memref<79x128xi32, #tpu.memory_space<vmem>>, vector<16xi32>,
      %scan3A_604 = arith.constant 0 : i32
      scf.yield %scan3A_604 : i32
    }
    %scan3A_6 = arith.constant 632 : i32
    %broadcast_in_dim3A = arith.constant 0.000000e+00 : f32
    %broadcast_in_dim3A_7 = vector.broadcast %broadcast_in_dim3A : f32 to vector<16xf32>
    %broadcast_in_dim3A_8 = arith.constant 1.000000e+00 : f32
    %broadcast_in_dim3A_9 = vector.broadcast %broadcast_in_dim3A_8 : f32 to vector<16xf32>
    %swap3A = arith.constant 0 : i32
    %swap3A_10 = arith.index_cast %swap3A : i32 to index
    %swap3A_11 = arith.constant 0 : index
    %swap3A_12 = tpu.vector_load %arg8[%swap3A_10, %swap3A_11] {strides = array<i32>} : memref<16x128xf32, #tpu.memory_space<vmem>>, vector<16xf32>,
    tpu.vector_store %arg8[%swap3A_10, %swap3A_11], %broadcast_in_dim3A_7 {strides = array<i32>} : memref<16x128xf32, #tpu.memory_space<vmem>>, vector<16xf32>,
    %swap3A_13 = arith.constant 0 : i32
    %swap3A_14 = arith.index_cast %swap3A_13 : i32 to index
    %swap3A_15 = arith.constant 16 : index
    %swap3A_16 = tpu.vector_load %arg8[%swap3A_14, %swap3A_15] {strides = array<i32>} : memref<16x128xf32, #tpu.memory_space<vmem>>, vector<16xf32>,
    tpu.vector_store %arg8[%swap3A_14, %swap3A_15], %broadcast_in_dim3A_7 {strides = array<i32>} : memref<16x128xf32, #tpu.memory_space<vmem>>, vector<16xf32>,
    %swap3A_17 = arith.constant 0 : i32
    %swap3A_18 = arith.index_cast %swap3A_17 : i32 to index
    %swap3A_19 = arith.constant 32 : index
    %swap3A_20 = tpu.vector_load %arg8[%swap3A_18, %swap3A_19] {strides = array<i32>} : memref<16x128xf32, #tpu.memory_space<vmem>>, vector<16xf32>,
    tpu.vector_store %arg8[%swap3A_18, %swap3A_19], %broadcast_in_dim3A_7 {strides = array<i32>} : memref<16x128xf32, #tpu.memory_space<vmem>>, vector<16xf32>,
    %swap3A_21 = arith.constant 0 : i32
    %swap3A_22 = arith.index_cast %swap3A_21 : i32 to index
    %swap3A_23 = arith.constant 48 : index
    %swap3A_24 = tpu.vector_load %arg8[%swap3A_22, %swap3A_23] {strides = array<i32>} : memref<16x128xf32, #tpu.memory_space<vmem>>, vector<16xf32>,
    tpu.vector_store %arg8[%swap3A_22, %swap3A_23], %broadcast_in_dim3A_7 {strides = array<i32>} : memref<16x128xf32, #tpu.memory_space<vmem>>, vector<16xf32>,
    %swap3A_25 = arith.constant 0 : i32
    %swap3A_26 = arith.index_cast %swap3A_25 : i32 to index
    %swap3A_27 = arith.constant 64 : index
    %swap3A_28 = tpu.vector_load %arg8[%swap3A_26, %swap3A_27] {strides = array<i32>} : memref<16x128xf32, #tpu.memory_space<vmem>>, vector<16xf32>,
    tpu.vector_store %arg8[%swap3A_26, %swap3A_27], %broadcast_in_dim3A_7 {strides = array<i32>} : memref<16x128xf32, #tpu.memory_space<vmem>>, vector<16xf32>,
    %swap3A_29 = arith.constant 0 : i32
    %swap3A_30 = arith.index_cast %swap3A_29 : i32 to index
    %swap3A_31 = arith.constant 80 : index
    %swap3A_32 = tpu.vector_load %arg8[%swap3A_30, %swap3A_31] {strides = array<i32>} : memref<16x128xf32, #tpu.memory_space<vmem>>, vector<16xf32>,
    tpu.vector_store %arg8[%swap3A_30, %swap3A_31], %broadcast_in_dim3A_7 {strides = array<i32>} : memref<16x128xf32, #tpu.memory_space<vmem>>, vector<16xf32>,
    %swap3A_33 = arith.constant 0 : i32
    %swap3A_34 = arith.index_cast %swap3A_33 : i32 to index
    %swap3A_35 = arith.constant 96 : index
    %swap3A_36 = tpu.vector_load %arg8[%swap3A_34, %swap3A_35] {strides = array<i32>} : memref<16x128xf32, #tpu.memory_space<vmem>>, vector<16xf32>,
    tpu.vector_store %arg8[%swap3A_34, %swap3A_35], %broadcast_in_dim3A_7 {strides = array<i32>} : memref<16x128xf32, #tpu.memory_space<vmem>>, vector<16xf32>,
    %swap3A_37 = arith.constant 0 : i32
    %swap3A_38 = arith.index_cast %swap3A_37 : i32 to index
    %swap3A_39 = arith.constant 112 : index
    %swap3A_40 = tpu.vector_load %arg8[%swap3A_38, %swap3A_39] {strides = array<i32>} : memref<16x128xf32, #tpu.memory_space<vmem>>, vector<16xf32>,
    tpu.vector_store %arg8[%swap3A_38, %swap3A_39], %broadcast_in_dim3A_7 {strides = array<i32>} : memref<16x128xf32, #tpu.memory_space<vmem>>, vector<16xf32>,
    %swap3A_41 = arith.constant 1 : i32
    %swap3A_42 = arith.index_cast %swap3A_41 : i32 to index
    %swap3A_43 = arith.constant 0 : index
    %swap3A_44 = tpu.vector_load %arg8[%swap3A_42, %swap3A_43] {strides = array<i32>} : memref<16x128xf32, #tpu.memory_space<vmem>>, vector<16xf32>,
    tpu.vector_store %arg8[%swap3A_42, %swap3A_43], %broadcast_in_dim3A_7 {strides = array<i32>} : memref<16x128xf32, #tpu.memory_space<vmem>>, vector<16xf32>,
    %swap3A_45 = arith.constant 1 : i32
    %swap3A_46 = arith.index_cast %swap3A_45 : i32 to index
    %swap3A_47 = arith.constant 16 : index
    %swap3A_48 = tpu.vector_load %arg8[%swap3A_46, %swap3A_47] {strides = array<i32>} : memref<16x128xf32, #tpu.memory_space<vmem>>, vector<16xf32>,
    tpu.vector_store %arg8[%swap3A_46, %swap3A_47], %broadcast_in_dim3A_7 {strides = array<i32>} : memref<16x128xf32, #tpu.memory_space<vmem>>, vector<16xf32>,
    %swap3A_49 = arith.constant 1 : i32
    %swap3A_50 = arith.index_cast %swap3A_49 : i32 to index
    %swap3A_51 = arith.constant 32 : index
    %swap3A_52 = tpu.vector_load %arg8[%swap3A_50, %swap3A_51] {strides = array<i32>} : memref<16x128xf32, #tpu.memory_space<vmem>>, vector<16xf32>,
    tpu.vector_store %arg8[%swap3A_50, %swap3A_51], %broadcast_in_dim3A_7 {strides = array<i32>} : memref<16x128xf32, #tpu.memory_space<vmem>>, vector<16xf32>,
    %swap3A_53 = arith.constant 1 : i32
    %swap3A_54 = arith.index_cast %swap3A_53 : i32 to index
    %swap3A_55 = arith.constant 48 : index
    %swap3A_56 = tpu.vector_load %arg8[%swap3A_54, %swap3A_55] {strides = array<i32>} : memref<16x128xf32, #tpu.memory_space<vmem>>, vector<16xf32>,
    tpu.vector_store %arg8[%swap3A_54, %swap3A_55], %broadcast_in_dim3A_7 {strides = array<i32>} : memref<16x128xf32, #tpu.memory_space<vmem>>, vector<16xf32>,
    %swap3A_57 = arith.constant 1 : i32
    %swap3A_58 = arith.index_cast %swap3A_57 : i32 to index
    %swap3A_59 = arith.constant 64 : index
    %swap3A_60 = tpu.vector_load %arg8[%swap3A_58, %swap3A_59] {strides = array<i32>} : memref<16x128xf32, #tpu.memory_space<vmem>>, vector<16xf32>,
    tpu.vector_store %arg8[%swap3A_58, %swap3A_59], %broadcast_in_dim3A_7 {strides = array<i32>} : memref<16x128xf32, #tpu.memory_space<vmem>>, vector<16xf32>,
    %swap3A_61 = arith.constant 1 : i32
    %swap3A_62 = arith.index_cast %swap3A_61 : i32 to index
    %swap3A_63 = arith.constant 80 : index
    %swap3A_64 = tpu.vector_load %arg8[%swap3A_62, %swap3A_63] {strides = array<i32>} : memref<16x128xf32, #tpu.memory_space<vmem>>, vector<16xf32>,
    tpu.vector_store %arg8[%swap3A_62, %swap3A_63], %broadcast_in_dim3A_7 {strides = array<i32>} : memref<16x128xf32, #tpu.memory_space<vmem>>, vector<16xf32>,
    %swap3A_65 = arith.constant 1 : i32
    %swap3A_66 = arith.index_cast %swap3A_65 : i32 to index
    %swap3A_67 = arith.constant 96 : index
    %swap3A_68 = tpu.vector_load %arg8[%swap3A_66, %swap3A_67] {strides = array<i32>} : memref<16x128xf32, #tpu.memory_space<vmem>>, vector<16xf32>,
    tpu.vector_store %arg8[%swap3A_66, %swap3A_67], %broadcast_in_dim3A_7 {strides = array<i32>} : memref<16x128xf32, #tpu.memory_space<vmem>>, vector<16xf32>,
    %swap3A_69 = arith.constant 1 : i32
    %swap3A_70 = arith.index_cast %swap3A_69 : i32 to index
    %swap3A_71 = arith.constant 112 : index
    %swap3A_72 = tpu.vector_load %arg8[%swap3A_70, %swap3A_71] {strides = array<i32>} : memref<16x128xf32, #tpu.memory_space<vmem>>, vector<16xf32>,
    tpu.vector_store %arg8[%swap3A_70, %swap3A_71], %broadcast_in_dim3A_7 {strides = array<i32>} : memref<16x128xf32, #tpu.memory_space<vmem>>, vector<16xf32>,
    %swap3A_73 = arith.constant 2 : i32
    %swap3A_74 = arith.index_cast %swap3A_73 : i32 to index
    %swap3A_75 = arith.constant 0 : index
    %swap3A_76 = tpu.vector_load %arg8[%swap3A_74, %swap3A_75] {strides = array<i32>} : memref<16x128xf32, #tpu.memory_space<vmem>>, vector<16xf32>,
    tpu.vector_store %arg8[%swap3A_74, %swap3A_75], %broadcast_in_dim3A_7 {strides = array<i32>} : memref<16x128xf32, #tpu.memory_space<vmem>>, vector<16xf32>,
    %swap3A_77 = arith.constant 2 : i32
    %swap3A_78 = arith.index_cast %swap3A_77 : i32 to index
    %swap3A_79 = arith.constant 16 : index
    %swap3A_80 = tpu.vector_load %arg8[%swap3A_78, %swap3A_79] {strides = array<i32>} : memref<16x128xf32, #tpu.memory_space<vmem>>, vector<16xf32>,
    tpu.vector_store %arg8[%swap3A_78, %swap3A_79], %broadcast_in_dim3A_7 {strides = array<i32>} : memref<16x128xf32, #tpu.memory_space<vmem>>, vector<16xf32>,
    %swap3A_81 = arith.constant 2 : i32
    %swap3A_82 = arith.index_cast %swap3A_81 : i32 to index
    %swap3A_83 = arith.constant 32 : index
    %swap3A_84 = tpu.vector_load %arg8[%swap3A_82, %swap3A_83] {strides = array<i32>} : memref<16x128xf32, #tpu.memory_space<vmem>>, vector<16xf32>,
    tpu.vector_store %arg8[%swap3A_82, %swap3A_83], %broadcast_in_dim3A_7 {strides = array<i32>} : memref<16x128xf32, #tpu.memory_space<vmem>>, vector<16xf32>,
    %swap3A_85 = arith.constant 2 : i32
    %swap3A_86 = arith.index_cast %swap3A_85 : i32 to index
    %swap3A_87 = arith.constant 48 : index
    %swap3A_88 = tpu.vector_load %arg8[%swap3A_86, %swap3A_87] {strides = array<i32>} : memref<16x128xf32, #tpu.memory_space<vmem>>, vector<16xf32>,
    tpu.vector_store %arg8[%swap3A_86, %swap3A_87], %broadcast_in_dim3A_7 {strides = array<i32>} : memref<16x128xf32, #tpu.memory_space<vmem>>, vector<16xf32>,
    %swap3A_89 = arith.constant 2 : i32
    %swap3A_90 = arith.index_cast %swap3A_89 : i32 to index
    %swap3A_91 = arith.constant 64 : index
    %swap3A_92 = tpu.vector_load %arg8[%swap3A_90, %swap3A_91] {strides = array<i32>} : memref<16x128xf32, #tpu.memory_space<vmem>>, vector<16xf32>,
    tpu.vector_store %arg8[%swap3A_90, %swap3A_91], %broadcast_in_dim3A_7 {strides = array<i32>} : memref<16x128xf32, #tpu.memory_space<vmem>>, vector<16xf32>,
    %swap3A_93 = arith.constant 2 : i32
    %swap3A_94 = arith.index_cast %swap3A_93 : i32 to index
    %swap3A_95 = arith.constant 80 : index
    %swap3A_96 = tpu.vector_load %arg8[%swap3A_94, %swap3A_95] {strides = array<i32>} : memref<16x128xf32, #tpu.memory_space<vmem>>, vector<16xf32>,
    tpu.vector_store %arg8[%swap3A_94, %swap3A_95], %broadcast_in_dim3A_7 {strides = array<i32>} : memref<16x128xf32, #tpu.memory_space<vmem>>, vector<16xf32>,
    %swap3A_97 = arith.constant 2 : i32
    %swap3A_98 = arith.index_cast %swap3A_97 : i32 to index
    %swap3A_99 = arith.constant 96 : index
    %swap3A_100 = tpu.vector_load %arg8[%swap3A_98, %swap3A_99] {strides = array<i32>} : memref<16x128xf32, #tpu.memory_space<vmem>>, vector<16xf32>,
    tpu.vector_store %arg8[%swap3A_98, %swap3A_99], %broadcast_in_dim3A_7 {strides = array<i32>} : memref<16x128xf32, #tpu.memory_space<vmem>>, vector<16xf32>,
    %swap3A_101 = arith.constant 2 : i32
    %swap3A_102 = arith.index_cast %swap3A_101 : i32 to index
    %swap3A_103 = arith.constant 112 : index
    %swap3A_104 = tpu.vector_load %arg8[%swap3A_102, %swap3A_103] {strides = array<i32>} : memref<16x128xf32, #tpu.memory_space<vmem>>, vector<16xf32>,
    tpu.vector_store %arg8[%swap3A_102, %swap3A_103], %broadcast_in_dim3A_7 {strides = array<i32>} : memref<16x128xf32, #tpu.memory_space<vmem>>, vector<16xf32>,
    %swap3A_105 = arith.constant 3 : i32
    %swap3A_106 = arith.index_cast %swap3A_105 : i32 to index
    %swap3A_107 = arith.constant 0 : index
    %swap3A_108 = tpu.vector_load %arg8[%swap3A_106, %swap3A_107] {strides = array<i32>} : memref<16x128xf32, #tpu.memory_space<vmem>>, vector<16xf32>,
    tpu.vector_store %arg8[%swap3A_106, %swap3A_107], %broadcast_in_dim3A_7 {strides = array<i32>} : memref<16x128xf32, #tpu.memory_space<vmem>>, vector<16xf32>,
    %swap3A_109 = arith.constant 3 : i32
    %swap3A_110 = arith.index_cast %swap3A_109 : i32 to index
    %swap3A_111 = arith.constant 16 : index
    %swap3A_112 = tpu.vector_load %arg8[%swap3A_110, %swap3A_111] {strides = array<i32>} : memref<16x128xf32, #tpu.memory_space<vmem>>, vector<16xf32>,
    tpu.vector_store %arg8[%swap3A_110, %swap3A_111], %broadcast_in_dim3A_7 {strides = array<i32>} : memref<16x128xf32, #tpu.memory_space<vmem>>, vector<16xf32>,
    %swap3A_113 = arith.constant 3 : i32
    %swap3A_114 = arith.index_cast %swap3A_113 : i32 to index
    %swap3A_115 = arith.constant 32 : index
    %swap3A_116 = tpu.vector_load %arg8[%swap3A_114, %swap3A_115] {strides = array<i32>} : memref<16x128xf32, #tpu.memory_space<vmem>>, vector<16xf32>,
    tpu.vector_store %arg8[%swap3A_114, %swap3A_115], %broadcast_in_dim3A_7 {strides = array<i32>} : memref<16x128xf32, #tpu.memory_space<vmem>>, vector<16xf32>,
    %swap3A_117 = arith.constant 3 : i32
    %swap3A_118 = arith.index_cast %swap3A_117 : i32 to index
    %swap3A_119 = arith.constant 48 : index
    %swap3A_120 = tpu.vector_load %arg8[%swap3A_118, %swap3A_119] {strides = array<i32>} : memref<16x128xf32, #tpu.memory_space<vmem>>, vector<16xf32>,
    tpu.vector_store %arg8[%swap3A_118, %swap3A_119], %broadcast_in_dim3A_7 {strides = array<i32>} : memref<16x128xf32, #tpu.memory_space<vmem>>, vector<16xf32>,
    %swap3A_121 = arith.constant 3 : i32
    %swap3A_122 = arith.index_cast %swap3A_121 : i32 to index
    %swap3A_123 = arith.constant 64 : index
    %swap3A_124 = tpu.vector_load %arg8[%swap3A_122, %swap3A_123] {strides = array<i32>} : memref<16x128xf32, #tpu.memory_space<vmem>>, vector<16xf32>,
    tpu.vector_store %arg8[%swap3A_122, %swap3A_123], %broadcast_in_dim3A_7 {strides = array<i32>} : memref<16x128xf32, #tpu.memory_space<vmem>>, vector<16xf32>,
    %swap3A_125 = arith.constant 3 : i32
    %swap3A_126 = arith.index_cast %swap3A_125 : i32 to index
    %swap3A_127 = arith.constant 80 : index
    %swap3A_128 = tpu.vector_load %arg8[%swap3A_126, %swap3A_127] {strides = array<i32>} : memref<16x128xf32, #tpu.memory_space<vmem>>, vector<16xf32>,
    tpu.vector_store %arg8[%swap3A_126, %swap3A_127], %broadcast_in_dim3A_7 {strides = array<i32>} : memref<16x128xf32, #tpu.memory_space<vmem>>, vector<16xf32>,
    %swap3A_129 = arith.constant 3 : i32
    %swap3A_130 = arith.index_cast %swap3A_129 : i32 to index
    %swap3A_131 = arith.constant 96 : index
    %swap3A_132 = tpu.vector_load %arg8[%swap3A_130, %swap3A_131] {strides = array<i32>} : memref<16x128xf32, #tpu.memory_space<vmem>>, vector<16xf32>,
    tpu.vector_store %arg8[%swap3A_130, %swap3A_131], %broadcast_in_dim3A_7 {strides = array<i32>} : memref<16x128xf32, #tpu.memory_space<vmem>>, vector<16xf32>,
    %swap3A_133 = arith.constant 3 : i32
    %swap3A_134 = arith.index_cast %swap3A_133 : i32 to index
    %swap3A_135 = arith.constant 112 : index
    %swap3A_136 = tpu.vector_load %arg8[%swap3A_134, %swap3A_135] {strides = array<i32>} : memref<16x128xf32, #tpu.memory_space<vmem>>, vector<16xf32>,
    tpu.vector_store %arg8[%swap3A_134, %swap3A_135], %broadcast_in_dim3A_7 {strides = array<i32>} : memref<16x128xf32, #tpu.memory_space<vmem>>, vector<16xf32>,
    %swap3A_137 = arith.constant 4 : i32
    %swap3A_138 = arith.index_cast %swap3A_137 : i32 to index
    %swap3A_139 = arith.constant 0 : index
    %swap3A_140 = tpu.vector_load %arg8[%swap3A_138, %swap3A_139] {strides = array<i32>} : memref<16x128xf32, #tpu.memory_space<vmem>>, vector<16xf32>,
    tpu.vector_store %arg8[%swap3A_138, %swap3A_139], %broadcast_in_dim3A_7 {strides = array<i32>} : memref<16x128xf32, #tpu.memory_space<vmem>>, vector<16xf32>,
    %swap3A_141 = arith.constant 4 : i32
    %swap3A_142 = arith.index_cast %swap3A_141 : i32 to index
    %swap3A_143 = arith.constant 16 : index
    %swap3A_144 = tpu.vector_load %arg8[%swap3A_142, %swap3A_143] {strides = array<i32>} : memref<16x128xf32, #tpu.memory_space<vmem>>, vector<16xf32>,
    tpu.vector_store %arg8[%swap3A_142, %swap3A_143], %broadcast_in_dim3A_7 {strides = array<i32>} : memref<16x128xf32, #tpu.memory_space<vmem>>, vector<16xf32>,
    %swap3A_145 = arith.constant 4 : i32
    %swap3A_146 = arith.index_cast %swap3A_145 : i32 to index
    %swap3A_147 = arith.constant 32 : index
    %swap3A_148 = tpu.vector_load %arg8[%swap3A_146, %swap3A_147] {strides = array<i32>} : memref<16x128xf32, #tpu.memory_space<vmem>>, vector<16xf32>,
    tpu.vector_store %arg8[%swap3A_146, %swap3A_147], %broadcast_in_dim3A_7 {strides = array<i32>} : memref<16x128xf32, #tpu.memory_space<vmem>>, vector<16xf32>,
    %swap3A_149 = arith.constant 4 : i32
    %swap3A_150 = arith.index_cast %swap3A_149 : i32 to index
    %swap3A_151 = arith.constant 48 : index
    %swap3A_152 = tpu.vector_load %arg8[%swap3A_150, %swap3A_151] {strides = array<i32>} : memref<16x128xf32, #tpu.memory_space<vmem>>, vector<16xf32>,
    tpu.vector_store %arg8[%swap3A_150, %swap3A_151], %broadcast_in_dim3A_7 {strides = array<i32>} : memref<16x128xf32, #tpu.memory_space<vmem>>, vector<16xf32>,
    %swap3A_153 = arith.constant 4 : i32
    %swap3A_154 = arith.index_cast %swap3A_153 : i32 to index
    %swap3A_155 = arith.constant 64 : index
    %swap3A_156 = tpu.vector_load %arg8[%swap3A_154, %swap3A_155] {strides = array<i32>} : memref<16x128xf32, #tpu.memory_space<vmem>>, vector<16xf32>,
    tpu.vector_store %arg8[%swap3A_154, %swap3A_155], %broadcast_in_dim3A_7 {strides = array<i32>} : memref<16x128xf32, #tpu.memory_space<vmem>>, vector<16xf32>,
    %swap3A_157 = arith.constant 4 : i32
    %swap3A_158 = arith.index_cast %swap3A_157 : i32 to index
    %swap3A_159 = arith.constant 80 : index
    %swap3A_160 = tpu.vector_load %arg8[%swap3A_158, %swap3A_159] {strides = array<i32>} : memref<16x128xf32, #tpu.memory_space<vmem>>, vector<16xf32>,
    tpu.vector_store %arg8[%swap3A_158, %swap3A_159], %broadcast_in_dim3A_7 {strides = array<i32>} : memref<16x128xf32, #tpu.memory_space<vmem>>, vector<16xf32>,
    %swap3A_161 = arith.constant 4 : i32
    %swap3A_162 = arith.index_cast %swap3A_161 : i32 to index
    %swap3A_163 = arith.constant 96 : index
    %swap3A_164 = tpu.vector_load %arg8[%swap3A_162, %swap3A_163] {strides = array<i32>} : memref<16x128xf32, #tpu.memory_space<vmem>>, vector<16xf32>,
    tpu.vector_store %arg8[%swap3A_162, %swap3A_163], %broadcast_in_dim3A_7 {strides = array<i32>} : memref<16x128xf32, #tpu.memory_space<vmem>>, vector<16xf32>,
    %swap3A_165 = arith.constant 4 : i32
    %swap3A_166 = arith.index_cast %swap3A_165 : i32 to index
    %swap3A_167 = arith.constant 112 : index
    %swap3A_168 = tpu.vector_load %arg8[%swap3A_166, %swap3A_167] {strides = array<i32>} : memref<16x128xf32, #tpu.memory_space<vmem>>, vector<16xf32>,
    tpu.vector_store %arg8[%swap3A_166, %swap3A_167], %broadcast_in_dim3A_7 {strides = array<i32>} : memref<16x128xf32, #tpu.memory_space<vmem>>, vector<16xf32>,
    %swap3A_169 = arith.constant 5 : i32
    %swap3A_170 = arith.index_cast %swap3A_169 : i32 to index
    %swap3A_171 = arith.constant 0 : index
    %swap3A_172 = tpu.vector_load %arg8[%swap3A_170, %swap3A_171] {strides = array<i32>} : memref<16x128xf32, #tpu.memory_space<vmem>>, vector<16xf32>,
    tpu.vector_store %arg8[%swap3A_170, %swap3A_171], %broadcast_in_dim3A_7 {strides = array<i32>} : memref<16x128xf32, #tpu.memory_space<vmem>>, vector<16xf32>,
    %swap3A_173 = arith.constant 5 : i32
    %swap3A_174 = arith.index_cast %swap3A_173 : i32 to index
    %swap3A_175 = arith.constant 16 : index
    %swap3A_176 = tpu.vector_load %arg8[%swap3A_174, %swap3A_175] {strides = array<i32>} : memref<16x128xf32, #tpu.memory_space<vmem>>, vector<16xf32>,
    tpu.vector_store %arg8[%swap3A_174, %swap3A_175], %broadcast_in_dim3A_7 {strides = array<i32>} : memref<16x128xf32, #tpu.memory_space<vmem>>, vector<16xf32>,
    %swap3A_177 = arith.constant 5 : i32
    %swap3A_178 = arith.index_cast %swap3A_177 : i32 to index
    %swap3A_179 = arith.constant 32 : index
    %swap3A_180 = tpu.vector_load %arg8[%swap3A_178, %swap3A_179] {strides = array<i32>} : memref<16x128xf32, #tpu.memory_space<vmem>>, vector<16xf32>,
    tpu.vector_store %arg8[%swap3A_178, %swap3A_179], %broadcast_in_dim3A_7 {strides = array<i32>} : memref<16x128xf32, #tpu.memory_space<vmem>>, vector<16xf32>,
    %swap3A_181 = arith.constant 5 : i32
    %swap3A_182 = arith.index_cast %swap3A_181 : i32 to index
    %swap3A_183 = arith.constant 48 : index
    %swap3A_184 = tpu.vector_load %arg8[%swap3A_182, %swap3A_183] {strides = array<i32>} : memref<16x128xf32, #tpu.memory_space<vmem>>, vector<16xf32>,
    tpu.vector_store %arg8[%swap3A_182, %swap3A_183], %broadcast_in_dim3A_7 {strides = array<i32>} : memref<16x128xf32, #tpu.memory_space<vmem>>, vector<16xf32>,
    %swap3A_185 = arith.constant 5 : i32
    %swap3A_186 = arith.index_cast %swap3A_185 : i32 to index
    %swap3A_187 = arith.constant 64 : index
    %swap3A_188 = tpu.vector_load %arg8[%swap3A_186, %swap3A_187] {strides = array<i32>} : memref<16x128xf32, #tpu.memory_space<vmem>>, vector<16xf32>,
    tpu.vector_store %arg8[%swap3A_186, %swap3A_187], %broadcast_in_dim3A_7 {strides = array<i32>} : memref<16x128xf32, #tpu.memory_space<vmem>>, vector<16xf32>,
    %swap3A_189 = arith.constant 5 : i32
    %swap3A_190 = arith.index_cast %swap3A_189 : i32 to index
    %swap3A_191 = arith.constant 80 : index
    %swap3A_192 = tpu.vector_load %arg8[%swap3A_190, %swap3A_191] {strides = array<i32>} : memref<16x128xf32, #tpu.memory_space<vmem>>, vector<16xf32>,
    tpu.vector_store %arg8[%swap3A_190, %swap3A_191], %broadcast_in_dim3A_7 {strides = array<i32>} : memref<16x128xf32, #tpu.memory_space<vmem>>, vector<16xf32>,
    %swap3A_193 = arith.constant 5 : i32
    %swap3A_194 = arith.index_cast %swap3A_193 : i32 to index
    %swap3A_195 = arith.constant 96 : index
    %swap3A_196 = tpu.vector_load %arg8[%swap3A_194, %swap3A_195] {strides = array<i32>} : memref<16x128xf32, #tpu.memory_space<vmem>>, vector<16xf32>,
    tpu.vector_store %arg8[%swap3A_194, %swap3A_195], %broadcast_in_dim3A_7 {strides = array<i32>} : memref<16x128xf32, #tpu.memory_space<vmem>>, vector<16xf32>,
    %swap3A_197 = arith.constant 5 : i32
    %swap3A_198 = arith.index_cast %swap3A_197 : i32 to index
    %swap3A_199 = arith.constant 112 : index
    %swap3A_200 = tpu.vector_load %arg8[%swap3A_198, %swap3A_199] {strides = array<i32>} : memref<16x128xf32, #tpu.memory_space<vmem>>, vector<16xf32>,
    tpu.vector_store %arg8[%swap3A_198, %swap3A_199], %broadcast_in_dim3A_7 {strides = array<i32>} : memref<16x128xf32, #tpu.memory_space<vmem>>, vector<16xf32>,
    %swap3A_201 = arith.constant 6 : i32
    %swap3A_202 = arith.index_cast %swap3A_201 : i32 to index
    %swap3A_203 = arith.constant 0 : index
    %swap3A_204 = tpu.vector_load %arg8[%swap3A_202, %swap3A_203] {strides = array<i32>} : memref<16x128xf32, #tpu.memory_space<vmem>>, vector<16xf32>,
    tpu.vector_store %arg8[%swap3A_202, %swap3A_203], %broadcast_in_dim3A_7 {strides = array<i32>} : memref<16x128xf32, #tpu.memory_space<vmem>>, vector<16xf32>,
    %swap3A_205 = arith.constant 6 : i32
    %swap3A_206 = arith.index_cast %swap3A_205 : i32 to index
    %swap3A_207 = arith.constant 16 : index
    %swap3A_208 = tpu.vector_load %arg8[%swap3A_206, %swap3A_207] {strides = array<i32>} : memref<16x128xf32, #tpu.memory_space<vmem>>, vector<16xf32>,
    tpu.vector_store %arg8[%swap3A_206, %swap3A_207], %broadcast_in_dim3A_7 {strides = array<i32>} : memref<16x128xf32, #tpu.memory_space<vmem>>, vector<16xf32>,
    %swap3A_209 = arith.constant 6 : i32
    %swap3A_210 = arith.index_cast %swap3A_209 : i32 to index
    %swap3A_211 = arith.constant 32 : index
    %swap3A_212 = tpu.vector_load %arg8[%swap3A_210, %swap3A_211] {strides = array<i32>} : memref<16x128xf32, #tpu.memory_space<vmem>>, vector<16xf32>,
    tpu.vector_store %arg8[%swap3A_210, %swap3A_211], %broadcast_in_dim3A_7 {strides = array<i32>} : memref<16x128xf32, #tpu.memory_space<vmem>>, vector<16xf32>,
    %swap3A_213 = arith.constant 6 : i32
    %swap3A_214 = arith.index_cast %swap3A_213 : i32 to index
    %swap3A_215 = arith.constant 48 : index
    %swap3A_216 = tpu.vector_load %arg8[%swap3A_214, %swap3A_215] {strides = array<i32>} : memref<16x128xf32, #tpu.memory_space<vmem>>, vector<16xf32>,
    tpu.vector_store %arg8[%swap3A_214, %swap3A_215], %broadcast_in_dim3A_7 {strides = array<i32>} : memref<16x128xf32, #tpu.memory_space<vmem>>, vector<16xf32>,
    %swap3A_217 = arith.constant 6 : i32
    %swap3A_218 = arith.index_cast %swap3A_217 : i32 to index
    %swap3A_219 = arith.constant 64 : index
    %swap3A_220 = tpu.vector_load %arg8[%swap3A_218, %swap3A_219] {strides = array<i32>} : memref<16x128xf32, #tpu.memory_space<vmem>>, vector<16xf32>,
    tpu.vector_store %arg8[%swap3A_218, %swap3A_219], %broadcast_in_dim3A_7 {strides = array<i32>} : memref<16x128xf32, #tpu.memory_space<vmem>>, vector<16xf32>,
    %swap3A_221 = arith.constant 6 : i32
    %swap3A_222 = arith.index_cast %swap3A_221 : i32 to index
    %swap3A_223 = arith.constant 80 : index
    %swap3A_224 = tpu.vector_load %arg8[%swap3A_222, %swap3A_223] {strides = array<i32>} : memref<16x128xf32, #tpu.memory_space<vmem>>, vector<16xf32>,
    tpu.vector_store %arg8[%swap3A_222, %swap3A_223], %broadcast_in_dim3A_7 {strides = array<i32>} : memref<16x128xf32, #tpu.memory_space<vmem>>, vector<16xf32>,
    %swap3A_225 = arith.constant 6 : i32
    %swap3A_226 = arith.index_cast %swap3A_225 : i32 to index
    %swap3A_227 = arith.constant 96 : index
    %swap3A_228 = tpu.vector_load %arg8[%swap3A_226, %swap3A_227] {strides = array<i32>} : memref<16x128xf32, #tpu.memory_space<vmem>>, vector<16xf32>,
    tpu.vector_store %arg8[%swap3A_226, %swap3A_227], %broadcast_in_dim3A_7 {strides = array<i32>} : memref<16x128xf32, #tpu.memory_space<vmem>>, vector<16xf32>,
    %swap3A_229 = arith.constant 6 : i32
    %swap3A_230 = arith.index_cast %swap3A_229 : i32 to index
    %swap3A_231 = arith.constant 112 : index
    %swap3A_232 = tpu.vector_load %arg8[%swap3A_230, %swap3A_231] {strides = array<i32>} : memref<16x128xf32, #tpu.memory_space<vmem>>, vector<16xf32>,
    tpu.vector_store %arg8[%swap3A_230, %swap3A_231], %broadcast_in_dim3A_7 {strides = array<i32>} : memref<16x128xf32, #tpu.memory_space<vmem>>, vector<16xf32>,
    %swap3A_233 = arith.constant 7 : i32
    %swap3A_234 = arith.index_cast %swap3A_233 : i32 to index
    %swap3A_235 = arith.constant 0 : index
    %swap3A_236 = tpu.vector_load %arg8[%swap3A_234, %swap3A_235] {strides = array<i32>} : memref<16x128xf32, #tpu.memory_space<vmem>>, vector<16xf32>,
    tpu.vector_store %arg8[%swap3A_234, %swap3A_235], %broadcast_in_dim3A_7 {strides = array<i32>} : memref<16x128xf32, #tpu.memory_space<vmem>>, vector<16xf32>,
    %swap3A_237 = arith.constant 7 : i32
    %swap3A_238 = arith.index_cast %swap3A_237 : i32 to index
    %swap3A_239 = arith.constant 16 : index
    %swap3A_240 = tpu.vector_load %arg8[%swap3A_238, %swap3A_239] {strides = array<i32>} : memref<16x128xf32, #tpu.memory_space<vmem>>, vector<16xf32>,
    tpu.vector_store %arg8[%swap3A_238, %swap3A_239], %broadcast_in_dim3A_7 {strides = array<i32>} : memref<16x128xf32, #tpu.memory_space<vmem>>, vector<16xf32>,
    %swap3A_241 = arith.constant 7 : i32
    %swap3A_242 = arith.index_cast %swap3A_241 : i32 to index
    %swap3A_243 = arith.constant 32 : index
    %swap3A_244 = tpu.vector_load %arg8[%swap3A_242, %swap3A_243] {strides = array<i32>} : memref<16x128xf32, #tpu.memory_space<vmem>>, vector<16xf32>,
    tpu.vector_store %arg8[%swap3A_242, %swap3A_243], %broadcast_in_dim3A_7 {strides = array<i32>} : memref<16x128xf32, #tpu.memory_space<vmem>>, vector<16xf32>,
    %swap3A_245 = arith.constant 7 : i32
    %swap3A_246 = arith.index_cast %swap3A_245 : i32 to index
    %swap3A_247 = arith.constant 48 : index
    %swap3A_248 = tpu.vector_load %arg8[%swap3A_246, %swap3A_247] {strides = array<i32>} : memref<16x128xf32, #tpu.memory_space<vmem>>, vector<16xf32>,
    tpu.vector_store %arg8[%swap3A_246, %swap3A_247], %broadcast_in_dim3A_7 {strides = array<i32>} : memref<16x128xf32, #tpu.memory_space<vmem>>, vector<16xf32>,
    %swap3A_249 = arith.constant 7 : i32
    %swap3A_250 = arith.index_cast %swap3A_249 : i32 to index
    %swap3A_251 = arith.constant 64 : index
    %swap3A_252 = tpu.vector_load %arg8[%swap3A_250, %swap3A_251] {strides = array<i32>} : memref<16x128xf32, #tpu.memory_space<vmem>>, vector<16xf32>,
    tpu.vector_store %arg8[%swap3A_250, %swap3A_251], %broadcast_in_dim3A_7 {strides = array<i32>} : memref<16x128xf32, #tpu.memory_space<vmem>>, vector<16xf32>,
    %swap3A_253 = arith.constant 7 : i32
    %swap3A_254 = arith.index_cast %swap3A_253 : i32 to index
    %swap3A_255 = arith.constant 80 : index
    %swap3A_256 = tpu.vector_load %arg8[%swap3A_254, %swap3A_255] {strides = array<i32>} : memref<16x128xf32, #tpu.memory_space<vmem>>, vector<16xf32>,
    tpu.vector_store %arg8[%swap3A_254, %swap3A_255], %broadcast_in_dim3A_7 {strides = array<i32>} : memref<16x128xf32, #tpu.memory_space<vmem>>, vector<16xf32>,
    %swap3A_257 = arith.constant 7 : i32
    %swap3A_258 = arith.index_cast %swap3A_257 : i32 to index
    %swap3A_259 = arith.constant 96 : index
    %swap3A_260 = tpu.vector_load %arg8[%swap3A_258, %swap3A_259] {strides = array<i32>} : memref<16x128xf32, #tpu.memory_space<vmem>>, vector<16xf32>,
    tpu.vector_store %arg8[%swap3A_258, %swap3A_259], %broadcast_in_dim3A_7 {strides = array<i32>} : memref<16x128xf32, #tpu.memory_space<vmem>>, vector<16xf32>,
    %swap3A_261 = arith.constant 7 : i32
    %swap3A_262 = arith.index_cast %swap3A_261 : i32 to index
    %swap3A_263 = arith.constant 112 : index
    %swap3A_264 = tpu.vector_load %arg8[%swap3A_262, %swap3A_263] {strides = array<i32>} : memref<16x128xf32, #tpu.memory_space<vmem>>, vector<16xf32>,
    tpu.vector_store %arg8[%swap3A_262, %swap3A_263], %broadcast_in_dim3A_7 {strides = array<i32>} : memref<16x128xf32, #tpu.memory_space<vmem>>, vector<16xf32>,
    %swap3A_265 = arith.constant 8 : i32
    %swap3A_266 = arith.index_cast %swap3A_265 : i32 to index
    %swap3A_267 = arith.constant 0 : index
    %swap3A_268 = tpu.vector_load %arg8[%swap3A_266, %swap3A_267] {strides = array<i32>} : memref<16x128xf32, #tpu.memory_space<vmem>>, vector<16xf32>,
    tpu.vector_store %arg8[%swap3A_266, %swap3A_267], %broadcast_in_dim3A_7 {strides = array<i32>} : memref<16x128xf32, #tpu.memory_space<vmem>>, vector<16xf32>,
    %swap3A_269 = arith.constant 8 : i32
    %swap3A_270 = arith.index_cast %swap3A_269 : i32 to index
    %swap3A_271 = arith.constant 16 : index
    %swap3A_272 = tpu.vector_load %arg8[%swap3A_270, %swap3A_271] {strides = array<i32>} : memref<16x128xf32, #tpu.memory_space<vmem>>, vector<16xf32>,
    tpu.vector_store %arg8[%swap3A_270, %swap3A_271], %broadcast_in_dim3A_7 {strides = array<i32>} : memref<16x128xf32, #tpu.memory_space<vmem>>, vector<16xf32>,
    %swap3A_273 = arith.constant 8 : i32
    %swap3A_274 = arith.index_cast %swap3A_273 : i32 to index
    %swap3A_275 = arith.constant 32 : index
    %swap3A_276 = tpu.vector_load %arg8[%swap3A_274, %swap3A_275] {strides = array<i32>} : memref<16x128xf32, #tpu.memory_space<vmem>>, vector<16xf32>,
    tpu.vector_store %arg8[%swap3A_274, %swap3A_275], %broadcast_in_dim3A_7 {strides = array<i32>} : memref<16x128xf32, #tpu.memory_space<vmem>>, vector<16xf32>,
    %swap3A_277 = arith.constant 8 : i32
    %swap3A_278 = arith.index_cast %swap3A_277 : i32 to index
    %swap3A_279 = arith.constant 48 : index
    %swap3A_280 = tpu.vector_load %arg8[%swap3A_278, %swap3A_279] {strides = array<i32>} : memref<16x128xf32, #tpu.memory_space<vmem>>, vector<16xf32>,
    tpu.vector_store %arg8[%swap3A_278, %swap3A_279], %broadcast_in_dim3A_7 {strides = array<i32>} : memref<16x128xf32, #tpu.memory_space<vmem>>, vector<16xf32>,
    %swap3A_281 = arith.constant 8 : i32
    %swap3A_282 = arith.index_cast %swap3A_281 : i32 to index
    %swap3A_283 = arith.constant 64 : index
    %swap3A_284 = tpu.vector_load %arg8[%swap3A_282, %swap3A_283] {strides = array<i32>} : memref<16x128xf32, #tpu.memory_space<vmem>>, vector<16xf32>,
    tpu.vector_store %arg8[%swap3A_282, %swap3A_283], %broadcast_in_dim3A_7 {strides = array<i32>} : memref<16x128xf32, #tpu.memory_space<vmem>>, vector<16xf32>,
    %swap3A_285 = arith.constant 8 : i32
    %swap3A_286 = arith.index_cast %swap3A_285 : i32 to index
    %swap3A_287 = arith.constant 80 : index
    %swap3A_288 = tpu.vector_load %arg8[%swap3A_286, %swap3A_287] {strides = array<i32>} : memref<16x128xf32, #tpu.memory_space<vmem>>, vector<16xf32>,
    tpu.vector_store %arg8[%swap3A_286, %swap3A_287], %broadcast_in_dim3A_7 {strides = array<i32>} : memref<16x128xf32, #tpu.memory_space<vmem>>, vector<16xf32>,
    %swap3A_289 = arith.constant 8 : i32
    %swap3A_290 = arith.index_cast %swap3A_289 : i32 to index
    %swap3A_291 = arith.constant 96 : index
    %swap3A_292 = tpu.vector_load %arg8[%swap3A_290, %swap3A_291] {strides = array<i32>} : memref<16x128xf32, #tpu.memory_space<vmem>>, vector<16xf32>,
    tpu.vector_store %arg8[%swap3A_290, %swap3A_291], %broadcast_in_dim3A_7 {strides = array<i32>} : memref<16x128xf32, #tpu.memory_space<vmem>>, vector<16xf32>,
    %swap3A_293 = arith.constant 8 : i32
    %swap3A_294 = arith.index_cast %swap3A_293 : i32 to index
    %swap3A_295 = arith.constant 112 : index
    %swap3A_296 = tpu.vector_load %arg8[%swap3A_294, %swap3A_295] {strides = array<i32>} : memref<16x128xf32, #tpu.memory_space<vmem>>, vector<16xf32>,
    tpu.vector_store %arg8[%swap3A_294, %swap3A_295], %broadcast_in_dim3A_7 {strides = array<i32>} : memref<16x128xf32, #tpu.memory_space<vmem>>, vector<16xf32>,
    %swap3A_297 = arith.constant 9 : i32
    %swap3A_298 = arith.index_cast %swap3A_297 : i32 to index
    %swap3A_299 = arith.constant 0 : index
    %swap3A_300 = tpu.vector_load %arg8[%swap3A_298, %swap3A_299] {strides = array<i32>} : memref<16x128xf32, #tpu.memory_space<vmem>>, vector<16xf32>,
    tpu.vector_store %arg8[%swap3A_298, %swap3A_299], %broadcast_in_dim3A_7 {strides = array<i32>} : memref<16x128xf32, #tpu.memory_space<vmem>>, vector<16xf32>,
    %swap3A_301 = arith.constant 9 : i32
    %swap3A_302 = arith.index_cast %swap3A_301 : i32 to index
    %swap3A_303 = arith.constant 16 : index
    %swap3A_304 = tpu.vector_load %arg8[%swap3A_302, %swap3A_303] {strides = array<i32>} : memref<16x128xf32, #tpu.memory_space<vmem>>, vector<16xf32>,
    tpu.vector_store %arg8[%swap3A_302, %swap3A_303], %broadcast_in_dim3A_7 {strides = array<i32>} : memref<16x128xf32, #tpu.memory_space<vmem>>, vector<16xf32>,
    %swap3A_305 = arith.constant 9 : i32
    %swap3A_306 = arith.index_cast %swap3A_305 : i32 to index
    %swap3A_307 = arith.constant 32 : index
    %swap3A_308 = tpu.vector_load %arg8[%swap3A_306, %swap3A_307] {strides = array<i32>} : memref<16x128xf32, #tpu.memory_space<vmem>>, vector<16xf32>,
    tpu.vector_store %arg8[%swap3A_306, %swap3A_307], %broadcast_in_dim3A_7 {strides = array<i32>} : memref<16x128xf32, #tpu.memory_space<vmem>>, vector<16xf32>,
    %swap3A_309 = arith.constant 9 : i32
    %swap3A_310 = arith.index_cast %swap3A_309 : i32 to index
    %swap3A_311 = arith.constant 48 : index
    %swap3A_312 = tpu.vector_load %arg8[%swap3A_310, %swap3A_311] {strides = array<i32>} : memref<16x128xf32, #tpu.memory_space<vmem>>, vector<16xf32>,
    tpu.vector_store %arg8[%swap3A_310, %swap3A_311], %broadcast_in_dim3A_7 {strides = array<i32>} : memref<16x128xf32, #tpu.memory_space<vmem>>, vector<16xf32>,
    %swap3A_313 = arith.constant 9 : i32
    %swap3A_314 = arith.index_cast %swap3A_313 : i32 to index
    %swap3A_315 = arith.constant 64 : index
    %swap3A_316 = tpu.vector_load %arg8[%swap3A_314, %swap3A_315] {strides = array<i32>} : memref<16x128xf32, #tpu.memory_space<vmem>>, vector<16xf32>,
    tpu.vector_store %arg8[%swap3A_314, %swap3A_315], %broadcast_in_dim3A_7 {strides = array<i32>} : memref<16x128xf32, #tpu.memory_space<vmem>>, vector<16xf32>,
    %swap3A_317 = arith.constant 9 : i32
    %swap3A_318 = arith.index_cast %swap3A_317 : i32 to index
    %swap3A_319 = arith.constant 80 : index
    %swap3A_320 = tpu.vector_load %arg8[%swap3A_318, %swap3A_319] {strides = array<i32>} : memref<16x128xf32, #tpu.memory_space<vmem>>, vector<16xf32>,
    tpu.vector_store %arg8[%swap3A_318, %swap3A_319], %broadcast_in_dim3A_7 {strides = array<i32>} : memref<16x128xf32, #tpu.memory_space<vmem>>, vector<16xf32>,
    %swap3A_321 = arith.constant 9 : i32
    %swap3A_322 = arith.index_cast %swap3A_321 : i32 to index
    %swap3A_323 = arith.constant 96 : index
    %swap3A_324 = tpu.vector_load %arg8[%swap3A_322, %swap3A_323] {strides = array<i32>} : memref<16x128xf32, #tpu.memory_space<vmem>>, vector<16xf32>,
    tpu.vector_store %arg8[%swap3A_322, %swap3A_323], %broadcast_in_dim3A_7 {strides = array<i32>} : memref<16x128xf32, #tpu.memory_space<vmem>>, vector<16xf32>,
    %swap3A_325 = arith.constant 9 : i32
    %swap3A_326 = arith.index_cast %swap3A_325 : i32 to index
    %swap3A_327 = arith.constant 112 : index
    %swap3A_328 = tpu.vector_load %arg8[%swap3A_326, %swap3A_327] {strides = array<i32>} : memref<16x128xf32, #tpu.memory_space<vmem>>, vector<16xf32>,
    tpu.vector_store %arg8[%swap3A_326, %swap3A_327], %broadcast_in_dim3A_7 {strides = array<i32>} : memref<16x128xf32, #tpu.memory_space<vmem>>, vector<16xf32>,
    %swap3A_329 = arith.constant 10 : i32
    %swap3A_330 = arith.index_cast %swap3A_329 : i32 to index
    %swap3A_331 = arith.constant 0 : index
    %swap3A_332 = tpu.vector_load %arg8[%swap3A_330, %swap3A_331] {strides = array<i32>} : memref<16x128xf32, #tpu.memory_space<vmem>>, vector<16xf32>,
    tpu.vector_store %arg8[%swap3A_330, %swap3A_331], %broadcast_in_dim3A_7 {strides = array<i32>} : memref<16x128xf32, #tpu.memory_space<vmem>>, vector<16xf32>,
    %swap3A_333 = arith.constant 10 : i32
    %swap3A_334 = arith.index_cast %swap3A_333 : i32 to index
    %swap3A_335 = arith.constant 16 : index
    %swap3A_336 = tpu.vector_load %arg8[%swap3A_334, %swap3A_335] {strides = array<i32>} : memref<16x128xf32, #tpu.memory_space<vmem>>, vector<16xf32>,
    tpu.vector_store %arg8[%swap3A_334, %swap3A_335], %broadcast_in_dim3A_7 {strides = array<i32>} : memref<16x128xf32, #tpu.memory_space<vmem>>, vector<16xf32>,
    %swap3A_337 = arith.constant 10 : i32
    %swap3A_338 = arith.index_cast %swap3A_337 : i32 to index
    %swap3A_339 = arith.constant 32 : index
    %swap3A_340 = tpu.vector_load %arg8[%swap3A_338, %swap3A_339] {strides = array<i32>} : memref<16x128xf32, #tpu.memory_space<vmem>>, vector<16xf32>,
    tpu.vector_store %arg8[%swap3A_338, %swap3A_339], %broadcast_in_dim3A_7 {strides = array<i32>} : memref<16x128xf32, #tpu.memory_space<vmem>>, vector<16xf32>,
    %swap3A_341 = arith.constant 10 : i32
    %swap3A_342 = arith.index_cast %swap3A_341 : i32 to index
    %swap3A_343 = arith.constant 48 : index
    %swap3A_344 = tpu.vector_load %arg8[%swap3A_342, %swap3A_343] {strides = array<i32>} : memref<16x128xf32, #tpu.memory_space<vmem>>, vector<16xf32>,
    tpu.vector_store %arg8[%swap3A_342, %swap3A_343], %broadcast_in_dim3A_7 {strides = array<i32>} : memref<16x128xf32, #tpu.memory_space<vmem>>, vector<16xf32>,
    %swap3A_345 = arith.constant 10 : i32
    %swap3A_346 = arith.index_cast %swap3A_345 : i32 to index
    %swap3A_347 = arith.constant 64 : index
    %swap3A_348 = tpu.vector_load %arg8[%swap3A_346, %swap3A_347] {strides = array<i32>} : memref<16x128xf32, #tpu.memory_space<vmem>>, vector<16xf32>,
    tpu.vector_store %arg8[%swap3A_346, %swap3A_347], %broadcast_in_dim3A_7 {strides = array<i32>} : memref<16x128xf32, #tpu.memory_space<vmem>>, vector<16xf32>,
    %swap3A_349 = arith.constant 10 : i32
    %swap3A_350 = arith.index_cast %swap3A_349 : i32 to index
    %swap3A_351 = arith.constant 80 : index
    %swap3A_352 = tpu.vector_load %arg8[%swap3A_350, %swap3A_351] {strides = array<i32>} : memref<16x128xf32, #tpu.memory_space<vmem>>, vector<16xf32>,
    tpu.vector_store %arg8[%swap3A_350, %swap3A_351], %broadcast_in_dim3A_7 {strides = array<i32>} : memref<16x128xf32, #tpu.memory_space<vmem>>, vector<16xf32>,
    %swap3A_353 = arith.constant 10 : i32
    %swap3A_354 = arith.index_cast %swap3A_353 : i32 to index
    %swap3A_355 = arith.constant 96 : index
    %swap3A_356 = tpu.vector_load %arg8[%swap3A_354, %swap3A_355] {strides = array<i32>} : memref<16x128xf32, #tpu.memory_space<vmem>>, vector<16xf32>,
    tpu.vector_store %arg8[%swap3A_354, %swap3A_355], %broadcast_in_dim3A_7 {strides = array<i32>} : memref<16x128xf32, #tpu.memory_space<vmem>>, vector<16xf32>,
    %swap3A_357 = arith.constant 10 : i32
    %swap3A_358 = arith.index_cast %swap3A_357 : i32 to index
    %swap3A_359 = arith.constant 112 : index
    %swap3A_360 = tpu.vector_load %arg8[%swap3A_358, %swap3A_359] {strides = array<i32>} : memref<16x128xf32, #tpu.memory_space<vmem>>, vector<16xf32>,
    tpu.vector_store %arg8[%swap3A_358, %swap3A_359], %broadcast_in_dim3A_7 {strides = array<i32>} : memref<16x128xf32, #tpu.memory_space<vmem>>, vector<16xf32>,
    %swap3A_361 = arith.constant 11 : i32
    %swap3A_362 = arith.index_cast %swap3A_361 : i32 to index
    %swap3A_363 = arith.constant 0 : index
    %swap3A_364 = tpu.vector_load %arg8[%swap3A_362, %swap3A_363] {strides = array<i32>} : memref<16x128xf32, #tpu.memory_space<vmem>>, vector<16xf32>,
    tpu.vector_store %arg8[%swap3A_362, %swap3A_363], %broadcast_in_dim3A_7 {strides = array<i32>} : memref<16x128xf32, #tpu.memory_space<vmem>>, vector<16xf32>,
    %swap3A_365 = arith.constant 11 : i32
    %swap3A_366 = arith.index_cast %swap3A_365 : i32 to index
    %swap3A_367 = arith.constant 16 : index
    %swap3A_368 = tpu.vector_load %arg8[%swap3A_366, %swap3A_367] {strides = array<i32>} : memref<16x128xf32, #tpu.memory_space<vmem>>, vector<16xf32>,
    tpu.vector_store %arg8[%swap3A_366, %swap3A_367], %broadcast_in_dim3A_7 {strides = array<i32>} : memref<16x128xf32, #tpu.memory_space<vmem>>, vector<16xf32>,
    %swap3A_369 = arith.constant 11 : i32
    %swap3A_370 = arith.index_cast %swap3A_369 : i32 to index
    %swap3A_371 = arith.constant 32 : index
    %swap3A_372 = tpu.vector_load %arg8[%swap3A_370, %swap3A_371] {strides = array<i32>} : memref<16x128xf32, #tpu.memory_space<vmem>>, vector<16xf32>,
    tpu.vector_store %arg8[%swap3A_370, %swap3A_371], %broadcast_in_dim3A_7 {strides = array<i32>} : memref<16x128xf32, #tpu.memory_space<vmem>>, vector<16xf32>,
    %swap3A_373 = arith.constant 11 : i32
    %swap3A_374 = arith.index_cast %swap3A_373 : i32 to index
    %swap3A_375 = arith.constant 48 : index
    %swap3A_376 = tpu.vector_load %arg8[%swap3A_374, %swap3A_375] {strides = array<i32>} : memref<16x128xf32, #tpu.memory_space<vmem>>, vector<16xf32>,
    tpu.vector_store %arg8[%swap3A_374, %swap3A_375], %broadcast_in_dim3A_7 {strides = array<i32>} : memref<16x128xf32, #tpu.memory_space<vmem>>, vector<16xf32>,
    %swap3A_377 = arith.constant 11 : i32
    %swap3A_378 = arith.index_cast %swap3A_377 : i32 to index
    %swap3A_379 = arith.constant 64 : index
    %swap3A_380 = tpu.vector_load %arg8[%swap3A_378, %swap3A_379] {strides = array<i32>} : memref<16x128xf32, #tpu.memory_space<vmem>>, vector<16xf32>,
    tpu.vector_store %arg8[%swap3A_378, %swap3A_379], %broadcast_in_dim3A_7 {strides = array<i32>} : memref<16x128xf32, #tpu.memory_space<vmem>>, vector<16xf32>,
    %swap3A_381 = arith.constant 11 : i32
    %swap3A_382 = arith.index_cast %swap3A_381 : i32 to index
    %swap3A_383 = arith.constant 80 : index
    %swap3A_384 = tpu.vector_load %arg8[%swap3A_382, %swap3A_383] {strides = array<i32>} : memref<16x128xf32, #tpu.memory_space<vmem>>, vector<16xf32>,
    tpu.vector_store %arg8[%swap3A_382, %swap3A_383], %broadcast_in_dim3A_7 {strides = array<i32>} : memref<16x128xf32, #tpu.memory_space<vmem>>, vector<16xf32>,
    %swap3A_385 = arith.constant 11 : i32
    %swap3A_386 = arith.index_cast %swap3A_385 : i32 to index
    %swap3A_387 = arith.constant 96 : index
    %swap3A_388 = tpu.vector_load %arg8[%swap3A_386, %swap3A_387] {strides = array<i32>} : memref<16x128xf32, #tpu.memory_space<vmem>>, vector<16xf32>,
    tpu.vector_store %arg8[%swap3A_386, %swap3A_387], %broadcast_in_dim3A_7 {strides = array<i32>} : memref<16x128xf32, #tpu.memory_space<vmem>>, vector<16xf32>,
    %swap3A_389 = arith.constant 11 : i32
    %swap3A_390 = arith.index_cast %swap3A_389 : i32 to index
    %swap3A_391 = arith.constant 112 : index
    %swap3A_392 = tpu.vector_load %arg8[%swap3A_390, %swap3A_391] {strides = array<i32>} : memref<16x128xf32, #tpu.memory_space<vmem>>, vector<16xf32>,
    tpu.vector_store %arg8[%swap3A_390, %swap3A_391], %broadcast_in_dim3A_7 {strides = array<i32>} : memref<16x128xf32, #tpu.memory_space<vmem>>, vector<16xf32>,
    %swap3A_393 = arith.constant 12 : i32
    %swap3A_394 = arith.index_cast %swap3A_393 : i32 to index
    %swap3A_395 = arith.constant 0 : index
    %swap3A_396 = tpu.vector_load %arg8[%swap3A_394, %swap3A_395] {strides = array<i32>} : memref<16x128xf32, #tpu.memory_space<vmem>>, vector<16xf32>,
    tpu.vector_store %arg8[%swap3A_394, %swap3A_395], %broadcast_in_dim3A_7 {strides = array<i32>} : memref<16x128xf32, #tpu.memory_space<vmem>>, vector<16xf32>,
    %swap3A_397 = arith.constant 12 : i32
    %swap3A_398 = arith.index_cast %swap3A_397 : i32 to index
    %swap3A_399 = arith.constant 16 : index
    %swap3A_400 = tpu.vector_load %arg8[%swap3A_398, %swap3A_399] {strides = array<i32>} : memref<16x128xf32, #tpu.memory_space<vmem>>, vector<16xf32>,
    tpu.vector_store %arg8[%swap3A_398, %swap3A_399], %broadcast_in_dim3A_7 {strides = array<i32>} : memref<16x128xf32, #tpu.memory_space<vmem>>, vector<16xf32>,
    %swap3A_401 = arith.constant 12 : i32
    %swap3A_402 = arith.index_cast %swap3A_401 : i32 to index
    %swap3A_403 = arith.constant 32 : index
    %swap3A_404 = tpu.vector_load %arg8[%swap3A_402, %swap3A_403] {strides = array<i32>} : memref<16x128xf32, #tpu.memory_space<vmem>>, vector<16xf32>,
    tpu.vector_store %arg8[%swap3A_402, %swap3A_403], %broadcast_in_dim3A_7 {strides = array<i32>} : memref<16x128xf32, #tpu.memory_space<vmem>>, vector<16xf32>,
    %swap3A_405 = arith.constant 12 : i32
    %swap3A_406 = arith.index_cast %swap3A_405 : i32 to index
    %swap3A_407 = arith.constant 48 : index
    %swap3A_408 = tpu.vector_load %arg8[%swap3A_406, %swap3A_407] {strides = array<i32>} : memref<16x128xf32, #tpu.memory_space<vmem>>, vector<16xf32>,
    tpu.vector_store %arg8[%swap3A_406, %swap3A_407], %broadcast_in_dim3A_7 {strides = array<i32>} : memref<16x128xf32, #tpu.memory_space<vmem>>, vector<16xf32>,
    %swap3A_409 = arith.constant 12 : i32
    %swap3A_410 = arith.index_cast %swap3A_409 : i32 to index
    %swap3A_411 = arith.constant 64 : index
    %swap3A_412 = tpu.vector_load %arg8[%swap3A_410, %swap3A_411] {strides = array<i32>} : memref<16x128xf32, #tpu.memory_space<vmem>>, vector<16xf32>,
    tpu.vector_store %arg8[%swap3A_410, %swap3A_411], %broadcast_in_dim3A_7 {strides = array<i32>} : memref<16x128xf32, #tpu.memory_space<vmem>>, vector<16xf32>,
    %swap3A_413 = arith.constant 12 : i32
    %swap3A_414 = arith.index_cast %swap3A_413 : i32 to index
    %swap3A_415 = arith.constant 80 : index
    %swap3A_416 = tpu.vector_load %arg8[%swap3A_414, %swap3A_415] {strides = array<i32>} : memref<16x128xf32, #tpu.memory_space<vmem>>, vector<16xf32>,
    tpu.vector_store %arg8[%swap3A_414, %swap3A_415], %broadcast_in_dim3A_7 {strides = array<i32>} : memref<16x128xf32, #tpu.memory_space<vmem>>, vector<16xf32>,
    %swap3A_417 = arith.constant 12 : i32
    %swap3A_418 = arith.index_cast %swap3A_417 : i32 to index
    %swap3A_419 = arith.constant 96 : index
    %swap3A_420 = tpu.vector_load %arg8[%swap3A_418, %swap3A_419] {strides = array<i32>} : memref<16x128xf32, #tpu.memory_space<vmem>>, vector<16xf32>,
    tpu.vector_store %arg8[%swap3A_418, %swap3A_419], %broadcast_in_dim3A_7 {strides = array<i32>} : memref<16x128xf32, #tpu.memory_space<vmem>>, vector<16xf32>,
    %swap3A_421 = arith.constant 12 : i32
    %swap3A_422 = arith.index_cast %swap3A_421 : i32 to index
    %swap3A_423 = arith.constant 112 : index
    %swap3A_424 = tpu.vector_load %arg8[%swap3A_422, %swap3A_423] {strides = array<i32>} : memref<16x128xf32, #tpu.memory_space<vmem>>, vector<16xf32>,
    tpu.vector_store %arg8[%swap3A_422, %swap3A_423], %broadcast_in_dim3A_7 {strides = array<i32>} : memref<16x128xf32, #tpu.memory_space<vmem>>, vector<16xf32>,
    %swap3A_425 = arith.constant 13 : i32
    %swap3A_426 = arith.index_cast %swap3A_425 : i32 to index
    %swap3A_427 = arith.constant 0 : index
    %swap3A_428 = tpu.vector_load %arg8[%swap3A_426, %swap3A_427] {strides = array<i32>} : memref<16x128xf32, #tpu.memory_space<vmem>>, vector<16xf32>,
    tpu.vector_store %arg8[%swap3A_426, %swap3A_427], %broadcast_in_dim3A_7 {strides = array<i32>} : memref<16x128xf32, #tpu.memory_space<vmem>>, vector<16xf32>,
    %swap3A_429 = arith.constant 13 : i32
    %swap3A_430 = arith.index_cast %swap3A_429 : i32 to index
    %swap3A_431 = arith.constant 16 : index
    %swap3A_432 = tpu.vector_load %arg8[%swap3A_430, %swap3A_431] {strides = array<i32>} : memref<16x128xf32, #tpu.memory_space<vmem>>, vector<16xf32>,
    tpu.vector_store %arg8[%swap3A_430, %swap3A_431], %broadcast_in_dim3A_7 {strides = array<i32>} : memref<16x128xf32, #tpu.memory_space<vmem>>, vector<16xf32>,
    %swap3A_433 = arith.constant 13 : i32
    %swap3A_434 = arith.index_cast %swap3A_433 : i32 to index
    %swap3A_435 = arith.constant 32 : index
    %swap3A_436 = tpu.vector_load %arg8[%swap3A_434, %swap3A_435] {strides = array<i32>} : memref<16x128xf32, #tpu.memory_space<vmem>>, vector<16xf32>,
    tpu.vector_store %arg8[%swap3A_434, %swap3A_435], %broadcast_in_dim3A_7 {strides = array<i32>} : memref<16x128xf32, #tpu.memory_space<vmem>>, vector<16xf32>,
    %swap3A_437 = arith.constant 13 : i32
    %swap3A_438 = arith.index_cast %swap3A_437 : i32 to index
    %swap3A_439 = arith.constant 48 : index
    %swap3A_440 = tpu.vector_load %arg8[%swap3A_438, %swap3A_439] {strides = array<i32>} : memref<16x128xf32, #tpu.memory_space<vmem>>, vector<16xf32>,
    tpu.vector_store %arg8[%swap3A_438, %swap3A_439], %broadcast_in_dim3A_7 {strides = array<i32>} : memref<16x128xf32, #tpu.memory_space<vmem>>, vector<16xf32>,
    %swap3A_441 = arith.constant 13 : i32
    %swap3A_442 = arith.index_cast %swap3A_441 : i32 to index
    %swap3A_443 = arith.constant 64 : index
    %swap3A_444 = tpu.vector_load %arg8[%swap3A_442, %swap3A_443] {strides = array<i32>} : memref<16x128xf32, #tpu.memory_space<vmem>>, vector<16xf32>,
    tpu.vector_store %arg8[%swap3A_442, %swap3A_443], %broadcast_in_dim3A_7 {strides = array<i32>} : memref<16x128xf32, #tpu.memory_space<vmem>>, vector<16xf32>,
    %swap3A_445 = arith.constant 13 : i32
    %swap3A_446 = arith.index_cast %swap3A_445 : i32 to index
    %swap3A_447 = arith.constant 80 : index
    %swap3A_448 = tpu.vector_load %arg8[%swap3A_446, %swap3A_447] {strides = array<i32>} : memref<16x128xf32, #tpu.memory_space<vmem>>, vector<16xf32>,
    tpu.vector_store %arg8[%swap3A_446, %swap3A_447], %broadcast_in_dim3A_7 {strides = array<i32>} : memref<16x128xf32, #tpu.memory_space<vmem>>, vector<16xf32>,
    %swap3A_449 = arith.constant 13 : i32
    %swap3A_450 = arith.index_cast %swap3A_449 : i32 to index
    %swap3A_451 = arith.constant 96 : index
    %swap3A_452 = tpu.vector_load %arg8[%swap3A_450, %swap3A_451] {strides = array<i32>} : memref<16x128xf32, #tpu.memory_space<vmem>>, vector<16xf32>,
    tpu.vector_store %arg8[%swap3A_450, %swap3A_451], %broadcast_in_dim3A_7 {strides = array<i32>} : memref<16x128xf32, #tpu.memory_space<vmem>>, vector<16xf32>,
    %swap3A_453 = arith.constant 13 : i32
    %swap3A_454 = arith.index_cast %swap3A_453 : i32 to index
    %swap3A_455 = arith.constant 112 : index
    %swap3A_456 = tpu.vector_load %arg8[%swap3A_454, %swap3A_455] {strides = array<i32>} : memref<16x128xf32, #tpu.memory_space<vmem>>, vector<16xf32>,
    tpu.vector_store %arg8[%swap3A_454, %swap3A_455], %broadcast_in_dim3A_7 {strides = array<i32>} : memref<16x128xf32, #tpu.memory_space<vmem>>, vector<16xf32>,
    %swap3A_457 = arith.constant 14 : i32
    %swap3A_458 = arith.index_cast %swap3A_457 : i32 to index
    %swap3A_459 = arith.constant 0 : index
    %swap3A_460 = tpu.vector_load %arg8[%swap3A_458, %swap3A_459] {strides = array<i32>} : memref<16x128xf32, #tpu.memory_space<vmem>>, vector<16xf32>,
    tpu.vector_store %arg8[%swap3A_458, %swap3A_459], %broadcast_in_dim3A_7 {strides = array<i32>} : memref<16x128xf32, #tpu.memory_space<vmem>>, vector<16xf32>,
    %swap3A_461 = arith.constant 14 : i32
    %swap3A_462 = arith.index_cast %swap3A_461 : i32 to index
    %swap3A_463 = arith.constant 16 : index
    %swap3A_464 = tpu.vector_load %arg8[%swap3A_462, %swap3A_463] {strides = array<i32>} : memref<16x128xf32, #tpu.memory_space<vmem>>, vector<16xf32>,
    tpu.vector_store %arg8[%swap3A_462, %swap3A_463], %broadcast_in_dim3A_7 {strides = array<i32>} : memref<16x128xf32, #tpu.memory_space<vmem>>, vector<16xf32>,
    %swap3A_465 = arith.constant 14 : i32
    %swap3A_466 = arith.index_cast %swap3A_465 : i32 to index
    %swap3A_467 = arith.constant 32 : index
    %swap3A_468 = tpu.vector_load %arg8[%swap3A_466, %swap3A_467] {strides = array<i32>} : memref<16x128xf32, #tpu.memory_space<vmem>>, vector<16xf32>,
    tpu.vector_store %arg8[%swap3A_466, %swap3A_467], %broadcast_in_dim3A_7 {strides = array<i32>} : memref<16x128xf32, #tpu.memory_space<vmem>>, vector<16xf32>,
    %swap3A_469 = arith.constant 14 : i32
    %swap3A_470 = arith.index_cast %swap3A_469 : i32 to index
    %swap3A_471 = arith.constant 48 : index
    %swap3A_472 = tpu.vector_load %arg8[%swap3A_470, %swap3A_471] {strides = array<i32>} : memref<16x128xf32, #tpu.memory_space<vmem>>, vector<16xf32>,
    tpu.vector_store %arg8[%swap3A_470, %swap3A_471], %broadcast_in_dim3A_7 {strides = array<i32>} : memref<16x128xf32, #tpu.memory_space<vmem>>, vector<16xf32>,
    %swap3A_473 = arith.constant 14 : i32
    %swap3A_474 = arith.index_cast %swap3A_473 : i32 to index
    %swap3A_475 = arith.constant 64 : index
    %swap3A_476 = tpu.vector_load %arg8[%swap3A_474, %swap3A_475] {strides = array<i32>} : memref<16x128xf32, #tpu.memory_space<vmem>>, vector<16xf32>,
    tpu.vector_store %arg8[%swap3A_474, %swap3A_475], %broadcast_in_dim3A_7 {strides = array<i32>} : memref<16x128xf32, #tpu.memory_space<vmem>>, vector<16xf32>,
    %swap3A_477 = arith.constant 14 : i32
    %swap3A_478 = arith.index_cast %swap3A_477 : i32 to index
    %swap3A_479 = arith.constant 80 : index
    %swap3A_480 = tpu.vector_load %arg8[%swap3A_478, %swap3A_479] {strides = array<i32>} : memref<16x128xf32, #tpu.memory_space<vmem>>, vector<16xf32>,
    tpu.vector_store %arg8[%swap3A_478, %swap3A_479], %broadcast_in_dim3A_7 {strides = array<i32>} : memref<16x128xf32, #tpu.memory_space<vmem>>, vector<16xf32>,
    %swap3A_481 = arith.constant 14 : i32
    %swap3A_482 = arith.index_cast %swap3A_481 : i32 to index
    %swap3A_483 = arith.constant 96 : index
    %swap3A_484 = tpu.vector_load %arg8[%swap3A_482, %swap3A_483] {strides = array<i32>} : memref<16x128xf32, #tpu.memory_space<vmem>>, vector<16xf32>,
    tpu.vector_store %arg8[%swap3A_482, %swap3A_483], %broadcast_in_dim3A_7 {strides = array<i32>} : memref<16x128xf32, #tpu.memory_space<vmem>>, vector<16xf32>,
    %swap3A_485 = arith.constant 14 : i32
    %swap3A_486 = arith.index_cast %swap3A_485 : i32 to index
    %swap3A_487 = arith.constant 112 : index
    %swap3A_488 = tpu.vector_load %arg8[%swap3A_486, %swap3A_487] {strides = array<i32>} : memref<16x128xf32, #tpu.memory_space<vmem>>, vector<16xf32>,
    tpu.vector_store %arg8[%swap3A_486, %swap3A_487], %broadcast_in_dim3A_7 {strides = array<i32>} : memref<16x128xf32, #tpu.memory_space<vmem>>, vector<16xf32>,
    %swap3A_489 = arith.constant 15 : i32
    %swap3A_490 = arith.index_cast %swap3A_489 : i32 to index
    %swap3A_491 = arith.constant 0 : index
    %swap3A_492 = tpu.vector_load %arg8[%swap3A_490, %swap3A_491] {strides = array<i32>} : memref<16x128xf32, #tpu.memory_space<vmem>>, vector<16xf32>,
    tpu.vector_store %arg8[%swap3A_490, %swap3A_491], %broadcast_in_dim3A_7 {strides = array<i32>} : memref<16x128xf32, #tpu.memory_space<vmem>>, vector<16xf32>,
    %swap3A_493 = arith.constant 15 : i32
    %swap3A_494 = arith.index_cast %swap3A_493 : i32 to index
    %swap3A_495 = arith.constant 16 : index
    %swap3A_496 = tpu.vector_load %arg8[%swap3A_494, %swap3A_495] {strides = array<i32>} : memref<16x128xf32, #tpu.memory_space<vmem>>, vector<16xf32>,
    tpu.vector_store %arg8[%swap3A_494, %swap3A_495], %broadcast_in_dim3A_7 {strides = array<i32>} : memref<16x128xf32, #tpu.memory_space<vmem>>, vector<16xf32>,
    %swap3A_497 = arith.constant 15 : i32
    %swap3A_498 = arith.index_cast %swap3A_497 : i32 to index
    %swap3A_499 = arith.constant 32 : index
    %swap3A_500 = tpu.vector_load %arg8[%swap3A_498, %swap3A_499] {strides = array<i32>} : memref<16x128xf32, #tpu.memory_space<vmem>>, vector<16xf32>,
    tpu.vector_store %arg8[%swap3A_498, %swap3A_499], %broadcast_in_dim3A_7 {strides = array<i32>} : memref<16x128xf32, #tpu.memory_space<vmem>>, vector<16xf32>,
    %swap3A_501 = arith.constant 15 : i32
    %swap3A_502 = arith.index_cast %swap3A_501 : i32 to index
    %swap3A_503 = arith.constant 48 : index
    %swap3A_504 = tpu.vector_load %arg8[%swap3A_502, %swap3A_503] {strides = array<i32>} : memref<16x128xf32, #tpu.memory_space<vmem>>, vector<16xf32>,
    tpu.vector_store %arg8[%swap3A_502, %swap3A_503], %broadcast_in_dim3A_7 {strides = array<i32>} : memref<16x128xf32, #tpu.memory_space<vmem>>, vector<16xf32>,
    %swap3A_505 = arith.constant 15 : i32
    %swap3A_506 = arith.index_cast %swap3A_505 : i32 to index
    %swap3A_507 = arith.constant 64 : index
    %swap3A_508 = tpu.vector_load %arg8[%swap3A_506, %swap3A_507] {strides = array<i32>} : memref<16x128xf32, #tpu.memory_space<vmem>>, vector<16xf32>,
    tpu.vector_store %arg8[%swap3A_506, %swap3A_507], %broadcast_in_dim3A_7 {strides = array<i32>} : memref<16x128xf32, #tpu.memory_space<vmem>>, vector<16xf32>,
    %swap3A_509 = arith.constant 15 : i32
    %swap3A_510 = arith.index_cast %swap3A_509 : i32 to index
    %swap3A_511 = arith.constant 80 : index
    %swap3A_512 = tpu.vector_load %arg8[%swap3A_510, %swap3A_511] {strides = array<i32>} : memref<16x128xf32, #tpu.memory_space<vmem>>, vector<16xf32>,
    tpu.vector_store %arg8[%swap3A_510, %swap3A_511], %broadcast_in_dim3A_7 {strides = array<i32>} : memref<16x128xf32, #tpu.memory_space<vmem>>, vector<16xf32>,
    %swap3A_513 = arith.constant 15 : i32
    %swap3A_514 = arith.index_cast %swap3A_513 : i32 to index
    %swap3A_515 = arith.constant 96 : index
    %swap3A_516 = tpu.vector_load %arg8[%swap3A_514, %swap3A_515] {strides = array<i32>} : memref<16x128xf32, #tpu.memory_space<vmem>>, vector<16xf32>,
    tpu.vector_store %arg8[%swap3A_514, %swap3A_515], %broadcast_in_dim3A_7 {strides = array<i32>} : memref<16x128xf32, #tpu.memory_space<vmem>>, vector<16xf32>,
    %swap3A_517 = arith.constant 15 : i32
    %swap3A_518 = arith.index_cast %swap3A_517 : i32 to index
    %swap3A_519 = arith.constant 112 : index
    %swap3A_520 = tpu.vector_load %arg8[%swap3A_518, %swap3A_519] {strides = array<i32>} : memref<16x128xf32, #tpu.memory_space<vmem>>, vector<16xf32>,
    tpu.vector_store %arg8[%swap3A_518, %swap3A_519], %broadcast_in_dim3A_7 {strides = array<i32>} : memref<16x128xf32, #tpu.memory_space<vmem>>, vector<16xf32>,
    %mul3A_521 = arith.constant 640 : i32
    %mul3A_522 = arith.muli %arg1, %mul3A_521 : i32
    %scan3A_523 = arith.constant 0 : i32
    %scan3A_524 = arith.constant 0 : i32
    %scan3A_525 = arith.constant 40 : i32
    %scan3A_526 = arith.addi %scan3A_524, %scan3A_525 : i32
    %scan3A_527 = arith.constant 1 : i32
    %scan3A_528 = scf.for %scan3A_553 = %scan3A_524 to %scan3A_526 step %scan3A_527 iter_args(%scan3A_554 = %scan3A_523) -> (i32)  : i32 {
      %mul3A_555 = arith.constant 16 : i32
      %mul3A_556 = arith.muli %scan3A_553, %mul3A_555 : i32
      %add3A_557 = arith.addi %mul3A_522, %mul3A_556 : i32
      "tpu.region"() ({
        %run_scoped3A = tpu.sem_alloc : memref<!tpu.dma_semaphore, #tpu.memory_space<semaphore_mem>>
        %dma_start3A = arith.constant 0 : i32
        %dma_start3A_559 = tpu.memref_slice %arg11[%add3A_557, %dma_start3A] : memref<10240x128xf32, #tpu.memory_space<vmem_shared>> -> memref<16x128xf32, #tpu.memory_space<vmem_shared>>
        %dma_start3A_560 = arith.constant 0 : i32
        %dma_start3A_561 = tpu.memref_slice %arg11[%add3A_557, %dma_start3A_560] : memref<10240x128xf32, #tpu.memory_space<vmem_shared>> -> memref<16x128xf32, #tpu.memory_space<vmem_shared>>
        tpu.enqueue_dma source(%arg8 : memref<16x128xf32, #tpu.memory_space<vmem>>) target(%dma_start3A_561 : memref<16x128xf32, #tpu.memory_space<vmem_shared>>) target_semaphore(%run_scoped3A : memref<!tpu.dma_semaphore, #tpu.memory_space<semaphore_mem>>)
        %dma_wait3A = arith.constant 0 : i32
        %dma_wait3A_562 = tpu.memref_slice %arg11[%add3A_557, %dma_wait3A] : memref<10240x128xf32, #tpu.memory_space<vmem_shared>> -> memref<16x128xf32, #tpu.memory_space<vmem_shared>>
        %dma_wait3A_563 = arith.constant 0 : i32
        %dma_wait3A_564 = tpu.memref_slice %arg11[%add3A_557, %dma_wait3A_563] : memref<10240x128xf32, #tpu.memory_space<vmem_shared>> -> memref<16x128xf32, #tpu.memory_space<vmem_shared>>
        tpu.wait_dma2 semaphore(%run_scoped3A : memref<!tpu.dma_semaphore, #tpu.memory_space<semaphore_mem>>) src(%arg8 : memref<16x128xf32, #tpu.memory_space<vmem>>) dst(%dma_wait3A_564 : memref<16x128xf32, #tpu.memory_space<vmem_shared>>)
        tpu.yield
      }) : () -> ()
      %scan3A_558 = arith.constant 0 : i32
      scf.yield %scan3A_558 : i32
    }
    %scan3A_529 = arith.constant 40 : i32
    %scan3A_530 = arith.constant 0 : i32
    %scan3A_531 = arith.constant 0 : i32
    %scan3A_532 = arith.constant 640 : i32
    %scan3A_533 = arith.addi %scan3A_531, %scan3A_532 : i32
    %scan3A_534 = arith.constant 1 : i32
    %scan3A_535 = scf.for %scan3A_553 = %scan3A_531 to %scan3A_533 step %scan3A_534 iter_args(%scan3A_554 = %scan3A_530) -> (i32)  : i32 {
      %jit3A = arith.constant 8 : i32
      %div3A = arith.divsi %scan3A_553, %jit3A : i32
      %sign3A = arith.constant 0 : i32
      %sign3A_555 = arith.cmpi sgt, %scan3A_553, %sign3A : i32
      %sign3A_556 = arith.extui %sign3A_555 : i1 to i32
      %sign3A_557 = arith.constant 0 : i32
      %sign3A_558 = arith.cmpi slt, %scan3A_553, %sign3A_557 : i32
      %sign3A_559 = arith.extui %sign3A_558 : i1 to i32
      %sign3A_560 = arith.subi %sign3A_556, %sign3A_559 : i32
      %sign3A_561 = arith.constant 0 : i32
      %sign3A_562 = arith.cmpi sgt, %jit3A, %sign3A_561 : i32
      %sign3A_563 = arith.extui %sign3A_562 : i1 to i32
      %sign3A_564 = arith.constant 0 : i32
      %sign3A_565 = arith.cmpi slt, %jit3A, %sign3A_564 : i32
      %sign3A_566 = arith.extui %sign3A_565 : i1 to i32
      %sign3A_567 = arith.subi %sign3A_563, %sign3A_566 : i32
      %ne3A = arith.cmpi ne, %sign3A_560, %sign3A_567 : i32
      %rem3A = arith.remsi %scan3A_553, %jit3A : i32
      %ne3A_568 = arith.constant 0 : i32
      %ne3A_569 = arith.cmpi ne, %rem3A, %ne3A_568 : i32
      %and3A = arith.andi %ne3A, %ne3A_569 : i1
      %sub3A = arith.constant 1 : i32
      %sub3A_570 = arith.subi %div3A, %sub3A : i32
      %select_n3A = arith.select %and3A, %sub3A_570, %div3A : i32
      %jit3A_571 = arith.constant 8 : i32
      %eq3A = arith.constant 0 : i32
      %eq3A_572 = arith.cmpi eq, %jit3A_571, %eq3A : i32
      %jit3A_573 = arith.constant 1 : i32
      %select_n3A_574 = arith.select %eq3A_572, %jit3A_573, %jit3A_571 : i32
      %rem3A_575 = arith.remsi %scan3A_553, %select_n3A_574 : i32
      %ne3A_576 = arith.constant 0 : i32
      %ne3A_577 = arith.cmpi ne, %rem3A_575, %ne3A_576 : i32
      %lt3A = arith.constant 0 : i32
      %lt3A_578 = arith.cmpi slt, %rem3A_575, %lt3A : i32
      %lt3A_579 = arith.constant 0 : i32
      %lt3A_580 = arith.cmpi slt, %select_n3A_574, %lt3A_579 : i32
      %ne3A_581 = arith.xori %lt3A_578, %lt3A_580 : i1
      %and3A_582 = arith.andi %ne3A_581, %ne3A_577 : i1
      %add3A_583 = arith.addi %rem3A_575, %select_n3A_574 : i32
      %select_n3A_584 = arith.select %and3A_582, %add3A_583, %rem3A_575 : i32
      %mul3A_585 = arith.constant 16 : i32
      %mul3A_586 = arith.muli %select_n3A_584, %mul3A_585 : i32
      %swap3A_587 = arith.index_cast %select_n3A : i32 to index
      %swap3A_588 = arith.index_cast %mul3A_586 : i32 to index
      %swap3A_589 = tpu.vector_load %arg9[%swap3A_587, %swap3A_588] {strides = array<i32>} : memref<80x128xf32, #tpu.memory_space<vmem>>, vector<16xf32>,
      tpu.vector_store %arg9[%swap3A_587, %swap3A_588], %broadcast_in_dim3A_7 {strides = array<i32>} : memref<80x128xf32, #tpu.memory_space<vmem>>, vector<16xf32>,
      %scan3A_590 = arith.constant 0 : i32
      scf.yield %scan3A_590 : i32
    }
    %scan3A_536 = arith.constant 640 : i32
    %barrier3A = arith.constant 0 : index
    tpu.barrier barrier_id(%barrier3A)
    %scan3A_537 = arith.constant 0 : i32
    %scan3A_538 = arith.constant 0 : i32
    %scan3A_539 = arith.constant 79 : i32
    %scan3A_540 = arith.addi %scan3A_538, %scan3A_539 : i32
    %scan3A_541 = arith.constant 1 : i32
    %scan3A_542 = scf.for %scan3A_553 = %scan3A_538 to %scan3A_540 step %scan3A_541 iter_args(%scan3A_554 = %scan3A_537) -> (i32)  : i32 {
      %dma_start3A = arith.constant 0 : i32
      %dma_start3A_555 = tpu.memref_slice %arg5[%scan3A_553, %dma_start3A] : memref<79x128xi32, #tpu.memory_space<vmem>> -> memref<1x128xi32, #tpu.memory_space<vmem>>
      %dma_start3A_556 = tpu.memref_squeeze %dma_start3A_555 : memref<1x128xi32, #tpu.memory_space<vmem>> -> memref<128xi32, #tpu.memory_space<vmem>>
      %dma_start3A_557 = arith.constant 0 : i32
      %dma_start3A_558 = arith.constant 0 : i32
      %dma_start3A_559 = tpu.memref_slice %arg2[%dma_start3A_557, %dma_start3A_558] : memref<10240x128xf32, #tpu.memory_space<hbm>> -> memref<10240x128xf32, #tpu.memory_space<hbm>>
      tpu.enqueue_indirect_dma source(%dma_start3A_559 : memref<10240x128xf32, #tpu.memory_space<hbm>>) target(%arg7 : memref<128x128xf32, #tpu.memory_space<vmem>>) offsets(%dma_start3A_556 : memref<128xi32, #tpu.memory_space<vmem>>) semaphore(%arg12 : memref<!tpu.dma_semaphore, #tpu.memory_space<semaphore_mem>>)
      %dma_wait3A = arith.constant 0 : i32
      %dma_wait3A_560 = tpu.memref_slice %arg5[%scan3A_553, %dma_wait3A] : memref<79x128xi32, #tpu.memory_space<vmem>> -> memref<1x128xi32, #tpu.memory_space<vmem>>
      %dma_wait3A_561 = tpu.memref_squeeze %dma_wait3A_560 : memref<1x128xi32, #tpu.memory_space<vmem>> -> memref<128xi32, #tpu.memory_space<vmem>>
      %dma_wait3A_562 = arith.constant 0 : i32
      %dma_wait3A_563 = arith.constant 0 : i32
      %dma_wait3A_564 = tpu.memref_slice %arg2[%dma_wait3A_562, %dma_wait3A_563] : memref<10240x128xf32, #tpu.memory_space<hbm>> -> memref<10240x128xf32, #tpu.memory_space<hbm>>
      tpu.wait_indirect_dma semaphore(%arg12 : memref<!tpu.dma_semaphore, #tpu.memory_space<semaphore_mem>>) src(%dma_wait3A_564 : memref<10240x128xf32, #tpu.memory_space<hbm>>) dst(%arg7 : memref<128x128xf32, #tpu.memory_space<vmem>>)
      "tpu.region"() ({
        %run_scoped3A = tpu.sem_alloc : memref<!tpu.dma_semaphore, #tpu.memory_space<semaphore_mem>>
        %dma_start3A_635 = arith.constant 0 : i32
        %dma_start3A_636 = tpu.memref_slice %arg6[%scan3A_553, %dma_start3A_635] : memref<79x128xi32, #tpu.memory_space<vmem>> -> memref<1x128xi32, #tpu.memory_space<vmem>>
        %dma_start3A_637 = tpu.memref_squeeze %dma_start3A_636 : memref<1x128xi32, #tpu.memory_space<vmem>> -> memref<128xi32, #tpu.memory_space<vmem>>
        %dma_start3A_638 = arith.constant 0 : i32
        %dma_start3A_639 = arith.constant 0 : i32
        %dma_start3A_640 = tpu.memref_slice %arg11[%dma_start3A_638, %dma_start3A_639] : memref<10240x128xf32, #tpu.memory_space<vmem_shared>> -> memref<10240x128xf32, #tpu.memory_space<vmem_shared>>
        tpu.enqueue_indirect_dma source(%arg7 : memref<128x128xf32, #tpu.memory_space<vmem>>) target(%dma_start3A_640 : memref<10240x128xf32, #tpu.memory_space<vmem_shared>>) offsets(%dma_start3A_637 : memref<128xi32, #tpu.memory_space<vmem>>) semaphore(%run_scoped3A : memref<!tpu.dma_semaphore, #tpu.memory_space<semaphore_mem>>) {add = true}
        %dma_wait3A_641 = arith.constant 0 : i32
        %dma_wait3A_642 = tpu.memref_slice %arg6[%scan3A_553, %dma_wait3A_641] : memref<79x128xi32, #tpu.memory_space<vmem>> -> memref<1x128xi32, #tpu.memory_space<vmem>>
        %dma_wait3A_643 = tpu.memref_squeeze %dma_wait3A_642 : memref<1x128xi32, #tpu.memory_space<vmem>> -> memref<128xi32, #tpu.memory_space<vmem>>
        %dma_wait3A_644 = arith.constant 0 : i32
        %dma_wait3A_645 = arith.constant 0 : i32
        %dma_wait3A_646 = tpu.memref_slice %arg11[%dma_wait3A_644, %dma_wait3A_645] : memref<10240x128xf32, #tpu.memory_space<vmem_shared>> -> memref<10240x128xf32, #tpu.memory_space<vmem_shared>>
        tpu.wait_indirect_dma semaphore(%run_scoped3A : memref<!tpu.dma_semaphore, #tpu.memory_space<semaphore_mem>>) src(%arg7 : memref<128x128xf32, #tpu.memory_space<vmem>>) dst(%dma_wait3A_646 : memref<10240x128xf32, #tpu.memory_space<vmem_shared>>)
        tpu.yield
      }) : () -> ()
      %get3A = arith.index_cast %scan3A_553 : i32 to index
      %get3A_565 = arith.constant 0 : index
      %get3A_566 = tpu.vector_load %arg6[%get3A, %get3A_565] {strides = array<i32>} : memref<79x128xi32, #tpu.memory_space<vmem>>, vector<16xi32>,
      %shift_right_logical3A = arith.constant 7 : i32
      %shift_right_logical3A_567 = vector.broadcast %shift_right_logical3A : i32 to vector<16xi32>
      %shift_right_logical3A_568 = arith.shrui %get3A_566, %shift_right_logical3A_567 : vector<16xi32>
      %and3A = arith.constant 127 : i32
      %and3A_569 = vector.broadcast %and3A : i32 to vector<16xi32>
      %and3A_570 = arith.andi %get3A_566, %and3A_569 : vector<16xi32>
      tpu.vector_store_idx %arg9[%shift_right_logical3A_568, %and3A_570], %broadcast_in_dim3A_9 {add = true} : memref<80x128xf32, #tpu.memory_space<vmem>>[vector<16xi32>, vector<16xi32>], vector<16xf32>,
      %get3A_571 = arith.index_cast %scan3A_553 : i32 to index
      %get3A_572 = arith.constant 16 : index
      %get3A_573 = tpu.vector_load %arg6[%get3A_571, %get3A_572] {strides = array<i32>} : memref<79x128xi32, #tpu.memory_space<vmem>>, vector<16xi32>,
      %shift_right_logical3A_574 = arith.constant 7 : i32
      %shift_right_logical3A_575 = vector.broadcast %shift_right_logical3A_574 : i32 to vector<16xi32>
      %shift_right_logical3A_576 = arith.shrui %get3A_573, %shift_right_logical3A_575 : vector<16xi32>
      %and3A_577 = arith.constant 127 : i32
      %and3A_578 = vector.broadcast %and3A_577 : i32 to vector<16xi32>
      %and3A_579 = arith.andi %get3A_573, %and3A_578 : vector<16xi32>
      tpu.vector_store_idx %arg9[%shift_right_logical3A_576, %and3A_579], %broadcast_in_dim3A_9 {add = true} : memref<80x128xf32, #tpu.memory_space<vmem>>[vector<16xi32>, vector<16xi32>], vector<16xf32>,
      %get3A_580 = arith.index_cast %scan3A_553 : i32 to index
      %get3A_581 = arith.constant 32 : index
      %get3A_582 = tpu.vector_load %arg6[%get3A_580, %get3A_581] {strides = array<i32>} : memref<79x128xi32, #tpu.memory_space<vmem>>, vector<16xi32>,
      %shift_right_logical3A_583 = arith.constant 7 : i32
      %shift_right_logical3A_584 = vector.broadcast %shift_right_logical3A_583 : i32 to vector<16xi32>
      %shift_right_logical3A_585 = arith.shrui %get3A_582, %shift_right_logical3A_584 : vector<16xi32>
      %and3A_586 = arith.constant 127 : i32
      %and3A_587 = vector.broadcast %and3A_586 : i32 to vector<16xi32>
      %and3A_588 = arith.andi %get3A_582, %and3A_587 : vector<16xi32>
      tpu.vector_store_idx %arg9[%shift_right_logical3A_585, %and3A_588], %broadcast_in_dim3A_9 {add = true} : memref<80x128xf32, #tpu.memory_space<vmem>>[vector<16xi32>, vector<16xi32>], vector<16xf32>,
      %get3A_589 = arith.index_cast %scan3A_553 : i32 to index
      %get3A_590 = arith.constant 48 : index
      %get3A_591 = tpu.vector_load %arg6[%get3A_589, %get3A_590] {strides = array<i32>} : memref<79x128xi32, #tpu.memory_space<vmem>>, vector<16xi32>,
      %shift_right_logical3A_592 = arith.constant 7 : i32
      %shift_right_logical3A_593 = vector.broadcast %shift_right_logical3A_592 : i32 to vector<16xi32>
      %shift_right_logical3A_594 = arith.shrui %get3A_591, %shift_right_logical3A_593 : vector<16xi32>
      %and3A_595 = arith.constant 127 : i32
      %and3A_596 = vector.broadcast %and3A_595 : i32 to vector<16xi32>
      %and3A_597 = arith.andi %get3A_591, %and3A_596 : vector<16xi32>
      tpu.vector_store_idx %arg9[%shift_right_logical3A_594, %and3A_597], %broadcast_in_dim3A_9 {add = true} : memref<80x128xf32, #tpu.memory_space<vmem>>[vector<16xi32>, vector<16xi32>], vector<16xf32>,
      %get3A_598 = arith.index_cast %scan3A_553 : i32 to index
      %get3A_599 = arith.constant 64 : index
      %get3A_600 = tpu.vector_load %arg6[%get3A_598, %get3A_599] {strides = array<i32>} : memref<79x128xi32, #tpu.memory_space<vmem>>, vector<16xi32>,
      %shift_right_logical3A_601 = arith.constant 7 : i32
      %shift_right_logical3A_602 = vector.broadcast %shift_right_logical3A_601 : i32 to vector<16xi32>
      %shift_right_logical3A_603 = arith.shrui %get3A_600, %shift_right_logical3A_602 : vector<16xi32>
      %and3A_604 = arith.constant 127 : i32
      %and3A_605 = vector.broadcast %and3A_604 : i32 to vector<16xi32>
      %and3A_606 = arith.andi %get3A_600, %and3A_605 : vector<16xi32>
      tpu.vector_store_idx %arg9[%shift_right_logical3A_603, %and3A_606], %broadcast_in_dim3A_9 {add = true} : memref<80x128xf32, #tpu.memory_space<vmem>>[vector<16xi32>, vector<16xi32>], vector<16xf32>,
      %get3A_607 = arith.index_cast %scan3A_553 : i32 to index
      %get3A_608 = arith.constant 80 : index
      %get3A_609 = tpu.vector_load %arg6[%get3A_607, %get3A_608] {strides = array<i32>} : memref<79x128xi32, #tpu.memory_space<vmem>>, vector<16xi32>,
      %shift_right_logical3A_610 = arith.constant 7 : i32
      %shift_right_logical3A_611 = vector.broadcast %shift_right_logical3A_610 : i32 to vector<16xi32>
      %shift_right_logical3A_612 = arith.shrui %get3A_609, %shift_right_logical3A_611 : vector<16xi32>
      %and3A_613 = arith.constant 127 : i32
      %and3A_614 = vector.broadcast %and3A_613 : i32 to vector<16xi32>
      %and3A_615 = arith.andi %get3A_609, %and3A_614 : vector<16xi32>
      tpu.vector_store_idx %arg9[%shift_right_logical3A_612, %and3A_615], %broadcast_in_dim3A_9 {add = true} : memref<80x128xf32, #tpu.memory_space<vmem>>[vector<16xi32>, vector<16xi32>], vector<16xf32>,
      %get3A_616 = arith.index_cast %scan3A_553 : i32 to index
      %get3A_617 = arith.constant 96 : index
      %get3A_618 = tpu.vector_load %arg6[%get3A_616, %get3A_617] {strides = array<i32>} : memref<79x128xi32, #tpu.memory_space<vmem>>, vector<16xi32>,
      %shift_right_logical3A_619 = arith.constant 7 : i32
      %shift_right_logical3A_620 = vector.broadcast %shift_right_logical3A_619 : i32 to vector<16xi32>
      %shift_right_logical3A_621 = arith.shrui %get3A_618, %shift_right_logical3A_620 : vector<16xi32>
      %and3A_622 = arith.constant 127 : i32
      %and3A_623 = vector.broadcast %and3A_622 : i32 to vector<16xi32>
      %and3A_624 = arith.andi %get3A_618, %and3A_623 : vector<16xi32>
      tpu.vector_store_idx %arg9[%shift_right_logical3A_621, %and3A_624], %broadcast_in_dim3A_9 {add = true} : memref<80x128xf32, #tpu.memory_space<vmem>>[vector<16xi32>, vector<16xi32>], vector<16xf32>,
      %get3A_625 = arith.index_cast %scan3A_553 : i32 to index
      %get3A_626 = arith.constant 112 : index
      %get3A_627 = tpu.vector_load %arg6[%get3A_625, %get3A_626] {strides = array<i32>} : memref<79x128xi32, #tpu.memory_space<vmem>>, vector<16xi32>,
      %shift_right_logical3A_628 = arith.constant 7 : i32
      %shift_right_logical3A_629 = vector.broadcast %shift_right_logical3A_628 : i32 to vector<16xi32>
      %shift_right_logical3A_630 = arith.shrui %get3A_627, %shift_right_logical3A_629 : vector<16xi32>
      %and3A_631 = arith.constant 127 : i32
      %and3A_632 = vector.broadcast %and3A_631 : i32 to vector<16xi32>
      %and3A_633 = arith.andi %get3A_627, %and3A_632 : vector<16xi32>
      tpu.vector_store_idx %arg9[%shift_right_logical3A_630, %and3A_633], %broadcast_in_dim3A_9 {add = true} : memref<80x128xf32, #tpu.memory_space<vmem>>[vector<16xi32>, vector<16xi32>], vector<16xf32>,
      %scan3A_634 = arith.constant 0 : i32
      scf.yield %scan3A_634 : i32
    }
    %scan3A_543 = arith.constant 79 : i32
    %barrier3A_544 = arith.constant 0 : index
    tpu.barrier barrier_id(%barrier3A_544)
    %scan3A_545 = arith.constant 0 : i32
    %scan3A_546 = arith.constant 0 : i32
    %scan3A_547 = arith.constant 5 : i32
    %scan3A_548 = arith.addi %scan3A_546, %scan3A_547 : i32
    %scan3A_549 = arith.constant 1 : i32
    %scan3A_550 = scf.for %scan3A_553 = %scan3A_546 to %scan3A_548 step %scan3A_549 iter_args(%scan3A_554 = %scan3A_545) -> (i32)  : i32 {
      %mul3A_555 = arith.constant 16 : i32
      %mul3A_556 = arith.muli %scan3A_553, %mul3A_555 : i32
      %add3A_557 = arith.constant 10016 : i32
      %add3A_558 = arith.addi %add3A_557, %mul3A_556 : i32
      %iota3A = tpu.iota {dimensions = array<i32: 0>} : vector<16xi32>
      %add3A_559 = vector.broadcast %add3A_558 : i32 to vector<16xi32>
      %add3A_560 = arith.addi %add3A_559, %iota3A : vector<16xi32>
      %swap3A_561 = arith.constant 0 : index
      %swap3A_562 = tpu.vector_load %arg10[%swap3A_561] {strides = array<i32>} : memref<16xi32, #tpu.memory_space<vmem>>, vector<16xi32>,
      tpu.vector_store %arg10[%swap3A_561], %add3A_560 {strides = array<i32>} : memref<16xi32, #tpu.memory_space<vmem>>, vector<16xi32>,
      %mul3A_563 = arith.constant 16 : i32
      %mul3A_564 = arith.muli %scan3A_553, %mul3A_563 : i32
      "tpu.region"() ({
        %run_scoped3A = tpu.sem_alloc : memref<!tpu.dma_semaphore, #tpu.memory_space<semaphore_mem>>
        %dma_start3A = arith.constant 0 : i32
        %dma_start3A_566 = tpu.memref_slice %arg9[%mul3A_564, %dma_start3A] : memref<80x128xf32, #tpu.memory_space<vmem>> -> memref<16x128xf32, #tpu.memory_space<vmem>>
        %dma_start3A_567 = arith.constant 0 : i32
        %dma_start3A_568 = arith.constant 0 : i32
        %dma_start3A_569 = tpu.memref_slice %arg11[%dma_start3A_567, %dma_start3A_568] : memref<10240x128xf32, #tpu.memory_space<vmem_shared>> -> memref<10240x128xf32, #tpu.memory_space<vmem_shared>>
        tpu.enqueue_indirect_dma source(%dma_start3A_566 : memref<16x128xf32, #tpu.memory_space<vmem>>) target(%dma_start3A_569 : memref<10240x128xf32, #tpu.memory_space<vmem_shared>>) offsets(%arg10 : memref<16xi32, #tpu.memory_space<vmem>>) semaphore(%run_scoped3A : memref<!tpu.dma_semaphore, #tpu.memory_space<semaphore_mem>>) {add = true}
        %dma_wait3A = arith.constant 0 : i32
        %dma_wait3A_570 = tpu.memref_slice %arg9[%mul3A_564, %dma_wait3A] : memref<80x128xf32, #tpu.memory_space<vmem>> -> memref<16x128xf32, #tpu.memory_space<vmem>>
        %dma_wait3A_571 = arith.constant 0 : i32
        %dma_wait3A_572 = arith.constant 0 : i32
        %dma_wait3A_573 = tpu.memref_slice %arg11[%dma_wait3A_571, %dma_wait3A_572] : memref<10240x128xf32, #tpu.memory_space<vmem_shared>> -> memref<10240x128xf32, #tpu.memory_space<vmem_shared>>
        tpu.wait_indirect_dma semaphore(%run_scoped3A : memref<!tpu.dma_semaphore, #tpu.memory_space<semaphore_mem>>) src(%dma_wait3A_570 : memref<16x128xf32, #tpu.memory_space<vmem>>) dst(%dma_wait3A_573 : memref<10240x128xf32, #tpu.memory_space<vmem_shared>>)
        tpu.yield
      }) : () -> ()
      %scan3A_565 = arith.constant 0 : i32
      scf.yield %scan3A_565 : i32
    }
    %scan3A_551 = arith.constant 5 : i32
    %barrier3A_552 = arith.constant 0 : index
    tpu.barrier barrier_id(%barrier3A_552)
    "tpu.region"() ({
      %run_scoped3A = tpu.sem_alloc : memref<!tpu.dma_semaphore, #tpu.memory_space<semaphore_mem>>
      %dma_start3A = arith.constant 0 : i32
      %dma_start3A_553 = tpu.memref_slice %arg4[%arg0, %mul3A_522, %dma_start3A] : memref<2x10240x128xf32, #tpu.memory_space<hbm>> -> memref<1x640x128xf32, #tpu.memory_space<hbm>>
      %dma_start3A_554 = tpu.memref_squeeze %dma_start3A_553 : memref<1x640x128xf32, #tpu.memory_space<hbm>> -> memref<640x128xf32, #tpu.memory_space<hbm>>
      %dma_start3A_555 = arith.constant 0 : i32
      %dma_start3A_556 = tpu.memref_slice %arg11[%mul3A_522, %dma_start3A_555] : memref<10240x128xf32, #tpu.memory_space<vmem_shared>> -> memref<640x128xf32, #tpu.memory_space<vmem_shared>>
      tpu.enqueue_dma source(%dma_start3A_556 : memref<640x128xf32, #tpu.memory_space<vmem_shared>>) target(%dma_start3A_554 : memref<640x128xf32, #tpu.memory_space<hbm>>) target_semaphore(%run_scoped3A : memref<!tpu.dma_semaphore, #tpu.memory_space<semaphore_mem>>)
      %dma_wait3A = arith.constant 0 : i32
      %dma_wait3A_557 = tpu.memref_slice %arg4[%arg0, %mul3A_522, %dma_wait3A] : memref<2x10240x128xf32, #tpu.memory_space<hbm>> -> memref<1x640x128xf32, #tpu.memory_space<hbm>>
      %dma_wait3A_558 = tpu.memref_squeeze %dma_wait3A_557 : memref<1x640x128xf32, #tpu.memory_space<hbm>> -> memref<640x128xf32, #tpu.memory_space<hbm>>
      %dma_wait3A_559 = arith.constant 0 : i32
      %dma_wait3A_560 = tpu.memref_slice %arg11[%mul3A_522, %dma_wait3A_559] : memref<10240x128xf32, #tpu.memory_space<vmem_shared>> -> memref<640x128xf32, #tpu.memory_space<vmem_shared>>
      tpu.wait_dma2 semaphore(%run_scoped3A : memref<!tpu.dma_semaphore, #tpu.memory_space<semaphore_mem>>) src(%dma_wait3A_560 : memref<640x128xf32, #tpu.memory_space<vmem_shared>>) dst(%dma_wait3A_558 : memref<640x128xf32, #tpu.memory_space<hbm>>)
      tpu.yield
    }) : () -> ()
    return
  }
}

#map = affine_map<(d0, d1) -> (0, 0)>
#map1 = affine_map<(d0, d1) -> (0, 0, 0)>
module attributes {stable_mosaic.version = 14 : i64} {
  func.func @_seg_body(%arg0: i32, %arg1: i32, %arg2: memref<10240x16xf32, #tpu.memory_space<hbm>>, %arg3: memref<32x79x128xi32, #tpu.memory_space<hbm>>, %arg4: memref<2x10240x16xf32, #tpu.memory_space<hbm>>, %arg5: memref<79x128xi32, #tpu.memory_space<vmem>>, %arg6: memref<79x128xi32, #tpu.memory_space<vmem>>, %arg7: memref<128x16xf32, #tpu.memory_space<vmem>>, %arg8: memref<16x16xf32, #tpu.memory_space<vmem>>, %arg9: memref<10240x16xf32, #tpu.memory_space<vmem_shared>>, %arg10: memref<!tpu.dma_semaphore, #tpu.memory_space<semaphore_mem>>) attributes {dimension_semantics = [#tpu.dimension_semantics<core_parallel>, #tpu.dimension_semantics<subcore_parallel>], iteration_bounds = array<i64: 2, 16>, scalar_prefetch = 0 : i64, scratch_operands = 6 : i64, tpu.core_type = #tpu.core_type<sc_vector_subcore>, window_params = [{transform_indices = #map}, {transform_indices = #map1}, {transform_indices = #map1}]} {
    %mul3A = arith.constant 16 : i32
    %mul3A_0 = arith.muli %arg0, %mul3A : i32
    %add3A = arith.addi %mul3A_0, %arg1 : i32
    "tpu.region"() ({
      %run_scoped3A = tpu.sem_alloc : memref<!tpu.dma_semaphore, #tpu.memory_space<semaphore_mem>>
      %dma_start3A = arith.constant 0 : i32
      %dma_start3A_90 = arith.constant 0 : i32
      %dma_start3A_91 = tpu.memref_slice %arg3[%add3A, %dma_start3A, %dma_start3A_90] : memref<32x79x128xi32, #tpu.memory_space<hbm>> -> memref<1x79x128xi32, #tpu.memory_space<hbm>>
      %dma_start3A_92 = tpu.memref_squeeze %dma_start3A_91 : memref<1x79x128xi32, #tpu.memory_space<hbm>> -> memref<79x128xi32, #tpu.memory_space<hbm>>
      %dma_start3A_93 = arith.constant 0 : i32
      %dma_start3A_94 = arith.constant 0 : i32
      %dma_start3A_95 = tpu.memref_slice %arg3[%add3A, %dma_start3A_93, %dma_start3A_94] : memref<32x79x128xi32, #tpu.memory_space<hbm>> -> memref<1x79x128xi32, #tpu.memory_space<hbm>>
      %dma_start3A_96 = tpu.memref_squeeze %dma_start3A_95 : memref<1x79x128xi32, #tpu.memory_space<hbm>> -> memref<79x128xi32, #tpu.memory_space<hbm>>
      tpu.enqueue_dma source(%dma_start3A_96 : memref<79x128xi32, #tpu.memory_space<hbm>>) target(%arg5 : memref<79x128xi32, #tpu.memory_space<vmem>>) target_semaphore(%run_scoped3A : memref<!tpu.dma_semaphore, #tpu.memory_space<semaphore_mem>>)
      %dma_wait3A = arith.constant 0 : i32
      %dma_wait3A_97 = arith.constant 0 : i32
      %dma_wait3A_98 = tpu.memref_slice %arg3[%add3A, %dma_wait3A, %dma_wait3A_97] : memref<32x79x128xi32, #tpu.memory_space<hbm>> -> memref<1x79x128xi32, #tpu.memory_space<hbm>>
      %dma_wait3A_99 = tpu.memref_squeeze %dma_wait3A_98 : memref<1x79x128xi32, #tpu.memory_space<hbm>> -> memref<79x128xi32, #tpu.memory_space<hbm>>
      %dma_wait3A_100 = arith.constant 0 : i32
      %dma_wait3A_101 = arith.constant 0 : i32
      %dma_wait3A_102 = tpu.memref_slice %arg3[%add3A, %dma_wait3A_100, %dma_wait3A_101] : memref<32x79x128xi32, #tpu.memory_space<hbm>> -> memref<1x79x128xi32, #tpu.memory_space<hbm>>
      %dma_wait3A_103 = tpu.memref_squeeze %dma_wait3A_102 : memref<1x79x128xi32, #tpu.memory_space<hbm>> -> memref<79x128xi32, #tpu.memory_space<hbm>>
      tpu.wait_dma2 semaphore(%run_scoped3A : memref<!tpu.dma_semaphore, #tpu.memory_space<semaphore_mem>>) src(%dma_wait3A_103 : memref<79x128xi32, #tpu.memory_space<hbm>>) dst(%arg5 : memref<79x128xi32, #tpu.memory_space<vmem>>)
      tpu.yield
    }) : () -> ()
    %scan3A = arith.constant 0 : i32
    %scan3A_1 = arith.constant 0 : i32
    %scan3A_2 = arith.constant 632 : i32
    %scan3A_3 = arith.addi %scan3A_1, %scan3A_2 : i32
    %scan3A_4 = arith.constant 1 : i32
    %scan3A_5 = scf.for %scan3A_90 = %scan3A_1 to %scan3A_3 step %scan3A_4 iter_args(%scan3A_91 = %scan3A) -> (i32)  : i32 {
      %jit3A = arith.constant 8 : i32
      %div3A = arith.divsi %scan3A_90, %jit3A : i32
      %sign3A = arith.constant 0 : i32
      %sign3A_92 = arith.cmpi sgt, %scan3A_90, %sign3A : i32
      %sign3A_93 = arith.extui %sign3A_92 : i1 to i32
      %sign3A_94 = arith.constant 0 : i32
      %sign3A_95 = arith.cmpi slt, %scan3A_90, %sign3A_94 : i32
      %sign3A_96 = arith.extui %sign3A_95 : i1 to i32
      %sign3A_97 = arith.subi %sign3A_93, %sign3A_96 : i32
      %sign3A_98 = arith.constant 0 : i32
      %sign3A_99 = arith.cmpi sgt, %jit3A, %sign3A_98 : i32
      %sign3A_100 = arith.extui %sign3A_99 : i1 to i32
      %sign3A_101 = arith.constant 0 : i32
      %sign3A_102 = arith.cmpi slt, %jit3A, %sign3A_101 : i32
      %sign3A_103 = arith.extui %sign3A_102 : i1 to i32
      %sign3A_104 = arith.subi %sign3A_100, %sign3A_103 : i32
      %ne3A = arith.cmpi ne, %sign3A_97, %sign3A_104 : i32
      %rem3A = arith.remsi %scan3A_90, %jit3A : i32
      %ne3A_105 = arith.constant 0 : i32
      %ne3A_106 = arith.cmpi ne, %rem3A, %ne3A_105 : i32
      %and3A = arith.andi %ne3A, %ne3A_106 : i1
      %sub3A = arith.constant 1 : i32
      %sub3A_107 = arith.subi %div3A, %sub3A : i32
      %select_n3A = arith.select %and3A, %sub3A_107, %div3A : i32
      %jit3A_108 = arith.constant 8 : i32
      %eq3A = arith.constant 0 : i32
      %eq3A_109 = arith.cmpi eq, %jit3A_108, %eq3A : i32
      %jit3A_110 = arith.constant 1 : i32
      %select_n3A_111 = arith.select %eq3A_109, %jit3A_110, %jit3A_108 : i32
      %rem3A_112 = arith.remsi %scan3A_90, %select_n3A_111 : i32
      %ne3A_113 = arith.constant 0 : i32
      %ne3A_114 = arith.cmpi ne, %rem3A_112, %ne3A_113 : i32
      %lt3A = arith.constant 0 : i32
      %lt3A_115 = arith.cmpi slt, %rem3A_112, %lt3A : i32
      %lt3A_116 = arith.constant 0 : i32
      %lt3A_117 = arith.cmpi slt, %select_n3A_111, %lt3A_116 : i32
      %ne3A_118 = arith.xori %lt3A_115, %lt3A_117 : i1
      %and3A_119 = arith.andi %ne3A_118, %ne3A_114 : i1
      %add3A_120 = arith.addi %rem3A_112, %select_n3A_111 : i32
      %select_n3A_121 = arith.select %and3A_119, %add3A_120, %rem3A_112 : i32
      %mul3A_122 = arith.constant 16 : i32
      %mul3A_123 = arith.muli %select_n3A_121, %mul3A_122 : i32
      %get3A = arith.index_cast %select_n3A : i32 to index
      %get3A_124 = arith.index_cast %mul3A_123 : i32 to index
      %get3A_125 = tpu.vector_load %arg5[%get3A, %get3A_124] {strides = array<i32>} : memref<79x128xi32, #tpu.memory_space<vmem>>, vector<16xi32>,
      %and3A_126 = arith.constant 16383 : i32
      %and3A_127 = vector.broadcast %and3A_126 : i32 to vector<16xi32>
      %and3A_128 = arith.andi %get3A_125, %and3A_127 : vector<16xi32>
      %mul3A_129 = arith.constant 16 : i32
      %mul3A_130 = arith.muli %select_n3A_121, %mul3A_129 : i32
      %swap3A_131 = arith.index_cast %select_n3A : i32 to index
      %swap3A_132 = arith.index_cast %mul3A_130 : i32 to index
      %swap3A_133 = tpu.vector_load %arg6[%swap3A_131, %swap3A_132] {strides = array<i32>} : memref<79x128xi32, #tpu.memory_space<vmem>>, vector<16xi32>,
      tpu.vector_store %arg6[%swap3A_131, %swap3A_132], %and3A_128 {strides = array<i32>} : memref<79x128xi32, #tpu.memory_space<vmem>>, vector<16xi32>,
      %shift_right_logical3A = arith.constant 14 : i32
      %shift_right_logical3A_134 = vector.broadcast %shift_right_logical3A : i32 to vector<16xi32>
      %shift_right_logical3A_135 = arith.shrui %get3A_125, %shift_right_logical3A_134 : vector<16xi32>
      %mul3A_136 = arith.constant 16 : i32
      %mul3A_137 = arith.muli %select_n3A_121, %mul3A_136 : i32
      %swap3A_138 = arith.index_cast %select_n3A : i32 to index
      %swap3A_139 = arith.index_cast %mul3A_137 : i32 to index
      %swap3A_140 = tpu.vector_load %arg5[%swap3A_138, %swap3A_139] {strides = array<i32>} : memref<79x128xi32, #tpu.memory_space<vmem>>, vector<16xi32>,
      tpu.vector_store %arg5[%swap3A_138, %swap3A_139], %shift_right_logical3A_135 {strides = array<i32>} : memref<79x128xi32, #tpu.memory_space<vmem>>, vector<16xi32>,
      %scan3A_141 = arith.constant 0 : i32
      scf.yield %scan3A_141 : i32
    }
    %scan3A_6 = arith.constant 632 : i32
    %broadcast_in_dim3A = arith.constant 0.000000e+00 : f32
    %broadcast_in_dim3A_7 = vector.broadcast %broadcast_in_dim3A : f32 to vector<16xf32>
    %broadcast_in_dim3A_8 = arith.constant 1.000000e+00 : f32
    %broadcast_in_dim3A_9 = vector.broadcast %broadcast_in_dim3A_8 : f32 to vector<16xf32>
    %swap3A = arith.constant 0 : i32
    %swap3A_10 = arith.index_cast %swap3A : i32 to index
    %swap3A_11 = arith.constant 0 : index
    %swap3A_12 = tpu.vector_load %arg8[%swap3A_10, %swap3A_11] {strides = array<i32>} : memref<16x16xf32, #tpu.memory_space<vmem>>, vector<16xf32>,
    tpu.vector_store %arg8[%swap3A_10, %swap3A_11], %broadcast_in_dim3A_7 {strides = array<i32>} : memref<16x16xf32, #tpu.memory_space<vmem>>, vector<16xf32>,
    %swap3A_13 = arith.constant 1 : i32
    %swap3A_14 = arith.index_cast %swap3A_13 : i32 to index
    %swap3A_15 = arith.constant 0 : index
    %swap3A_16 = tpu.vector_load %arg8[%swap3A_14, %swap3A_15] {strides = array<i32>} : memref<16x16xf32, #tpu.memory_space<vmem>>, vector<16xf32>,
    tpu.vector_store %arg8[%swap3A_14, %swap3A_15], %broadcast_in_dim3A_7 {strides = array<i32>} : memref<16x16xf32, #tpu.memory_space<vmem>>, vector<16xf32>,
    %swap3A_17 = arith.constant 2 : i32
    %swap3A_18 = arith.index_cast %swap3A_17 : i32 to index
    %swap3A_19 = arith.constant 0 : index
    %swap3A_20 = tpu.vector_load %arg8[%swap3A_18, %swap3A_19] {strides = array<i32>} : memref<16x16xf32, #tpu.memory_space<vmem>>, vector<16xf32>,
    tpu.vector_store %arg8[%swap3A_18, %swap3A_19], %broadcast_in_dim3A_7 {strides = array<i32>} : memref<16x16xf32, #tpu.memory_space<vmem>>, vector<16xf32>,
    %swap3A_21 = arith.constant 3 : i32
    %swap3A_22 = arith.index_cast %swap3A_21 : i32 to index
    %swap3A_23 = arith.constant 0 : index
    %swap3A_24 = tpu.vector_load %arg8[%swap3A_22, %swap3A_23] {strides = array<i32>} : memref<16x16xf32, #tpu.memory_space<vmem>>, vector<16xf32>,
    tpu.vector_store %arg8[%swap3A_22, %swap3A_23], %broadcast_in_dim3A_7 {strides = array<i32>} : memref<16x16xf32, #tpu.memory_space<vmem>>, vector<16xf32>,
    %swap3A_25 = arith.constant 4 : i32
    %swap3A_26 = arith.index_cast %swap3A_25 : i32 to index
    %swap3A_27 = arith.constant 0 : index
    %swap3A_28 = tpu.vector_load %arg8[%swap3A_26, %swap3A_27] {strides = array<i32>} : memref<16x16xf32, #tpu.memory_space<vmem>>, vector<16xf32>,
    tpu.vector_store %arg8[%swap3A_26, %swap3A_27], %broadcast_in_dim3A_7 {strides = array<i32>} : memref<16x16xf32, #tpu.memory_space<vmem>>, vector<16xf32>,
    %swap3A_29 = arith.constant 5 : i32
    %swap3A_30 = arith.index_cast %swap3A_29 : i32 to index
    %swap3A_31 = arith.constant 0 : index
    %swap3A_32 = tpu.vector_load %arg8[%swap3A_30, %swap3A_31] {strides = array<i32>} : memref<16x16xf32, #tpu.memory_space<vmem>>, vector<16xf32>,
    tpu.vector_store %arg8[%swap3A_30, %swap3A_31], %broadcast_in_dim3A_7 {strides = array<i32>} : memref<16x16xf32, #tpu.memory_space<vmem>>, vector<16xf32>,
    %swap3A_33 = arith.constant 6 : i32
    %swap3A_34 = arith.index_cast %swap3A_33 : i32 to index
    %swap3A_35 = arith.constant 0 : index
    %swap3A_36 = tpu.vector_load %arg8[%swap3A_34, %swap3A_35] {strides = array<i32>} : memref<16x16xf32, #tpu.memory_space<vmem>>, vector<16xf32>,
    tpu.vector_store %arg8[%swap3A_34, %swap3A_35], %broadcast_in_dim3A_7 {strides = array<i32>} : memref<16x16xf32, #tpu.memory_space<vmem>>, vector<16xf32>,
    %swap3A_37 = arith.constant 7 : i32
    %swap3A_38 = arith.index_cast %swap3A_37 : i32 to index
    %swap3A_39 = arith.constant 0 : index
    %swap3A_40 = tpu.vector_load %arg8[%swap3A_38, %swap3A_39] {strides = array<i32>} : memref<16x16xf32, #tpu.memory_space<vmem>>, vector<16xf32>,
    tpu.vector_store %arg8[%swap3A_38, %swap3A_39], %broadcast_in_dim3A_7 {strides = array<i32>} : memref<16x16xf32, #tpu.memory_space<vmem>>, vector<16xf32>,
    %swap3A_41 = arith.constant 8 : i32
    %swap3A_42 = arith.index_cast %swap3A_41 : i32 to index
    %swap3A_43 = arith.constant 0 : index
    %swap3A_44 = tpu.vector_load %arg8[%swap3A_42, %swap3A_43] {strides = array<i32>} : memref<16x16xf32, #tpu.memory_space<vmem>>, vector<16xf32>,
    tpu.vector_store %arg8[%swap3A_42, %swap3A_43], %broadcast_in_dim3A_7 {strides = array<i32>} : memref<16x16xf32, #tpu.memory_space<vmem>>, vector<16xf32>,
    %swap3A_45 = arith.constant 9 : i32
    %swap3A_46 = arith.index_cast %swap3A_45 : i32 to index
    %swap3A_47 = arith.constant 0 : index
    %swap3A_48 = tpu.vector_load %arg8[%swap3A_46, %swap3A_47] {strides = array<i32>} : memref<16x16xf32, #tpu.memory_space<vmem>>, vector<16xf32>,
    tpu.vector_store %arg8[%swap3A_46, %swap3A_47], %broadcast_in_dim3A_7 {strides = array<i32>} : memref<16x16xf32, #tpu.memory_space<vmem>>, vector<16xf32>,
    %swap3A_49 = arith.constant 10 : i32
    %swap3A_50 = arith.index_cast %swap3A_49 : i32 to index
    %swap3A_51 = arith.constant 0 : index
    %swap3A_52 = tpu.vector_load %arg8[%swap3A_50, %swap3A_51] {strides = array<i32>} : memref<16x16xf32, #tpu.memory_space<vmem>>, vector<16xf32>,
    tpu.vector_store %arg8[%swap3A_50, %swap3A_51], %broadcast_in_dim3A_7 {strides = array<i32>} : memref<16x16xf32, #tpu.memory_space<vmem>>, vector<16xf32>,
    %swap3A_53 = arith.constant 11 : i32
    %swap3A_54 = arith.index_cast %swap3A_53 : i32 to index
    %swap3A_55 = arith.constant 0 : index
    %swap3A_56 = tpu.vector_load %arg8[%swap3A_54, %swap3A_55] {strides = array<i32>} : memref<16x16xf32, #tpu.memory_space<vmem>>, vector<16xf32>,
    tpu.vector_store %arg8[%swap3A_54, %swap3A_55], %broadcast_in_dim3A_7 {strides = array<i32>} : memref<16x16xf32, #tpu.memory_space<vmem>>, vector<16xf32>,
    %swap3A_57 = arith.constant 12 : i32
    %swap3A_58 = arith.index_cast %swap3A_57 : i32 to index
    %swap3A_59 = arith.constant 0 : index
    %swap3A_60 = tpu.vector_load %arg8[%swap3A_58, %swap3A_59] {strides = array<i32>} : memref<16x16xf32, #tpu.memory_space<vmem>>, vector<16xf32>,
    tpu.vector_store %arg8[%swap3A_58, %swap3A_59], %broadcast_in_dim3A_7 {strides = array<i32>} : memref<16x16xf32, #tpu.memory_space<vmem>>, vector<16xf32>,
    %swap3A_61 = arith.constant 13 : i32
    %swap3A_62 = arith.index_cast %swap3A_61 : i32 to index
    %swap3A_63 = arith.constant 0 : index
    %swap3A_64 = tpu.vector_load %arg8[%swap3A_62, %swap3A_63] {strides = array<i32>} : memref<16x16xf32, #tpu.memory_space<vmem>>, vector<16xf32>,
    tpu.vector_store %arg8[%swap3A_62, %swap3A_63], %broadcast_in_dim3A_7 {strides = array<i32>} : memref<16x16xf32, #tpu.memory_space<vmem>>, vector<16xf32>,
    %swap3A_65 = arith.constant 14 : i32
    %swap3A_66 = arith.index_cast %swap3A_65 : i32 to index
    %swap3A_67 = arith.constant 0 : index
    %swap3A_68 = tpu.vector_load %arg8[%swap3A_66, %swap3A_67] {strides = array<i32>} : memref<16x16xf32, #tpu.memory_space<vmem>>, vector<16xf32>,
    tpu.vector_store %arg8[%swap3A_66, %swap3A_67], %broadcast_in_dim3A_7 {strides = array<i32>} : memref<16x16xf32, #tpu.memory_space<vmem>>, vector<16xf32>,
    %swap3A_69 = arith.constant 15 : i32
    %swap3A_70 = arith.index_cast %swap3A_69 : i32 to index
    %swap3A_71 = arith.constant 0 : index
    %swap3A_72 = tpu.vector_load %arg8[%swap3A_70, %swap3A_71] {strides = array<i32>} : memref<16x16xf32, #tpu.memory_space<vmem>>, vector<16xf32>,
    tpu.vector_store %arg8[%swap3A_70, %swap3A_71], %broadcast_in_dim3A_7 {strides = array<i32>} : memref<16x16xf32, #tpu.memory_space<vmem>>, vector<16xf32>,
    %mul3A_73 = arith.constant 640 : i32
    %mul3A_74 = arith.muli %arg1, %mul3A_73 : i32
    %scan3A_75 = arith.constant 0 : i32
    %scan3A_76 = arith.constant 0 : i32
    %scan3A_77 = arith.constant 40 : i32
    %scan3A_78 = arith.addi %scan3A_76, %scan3A_77 : i32
    %scan3A_79 = arith.constant 1 : i32
    %scan3A_80 = scf.for %scan3A_90 = %scan3A_76 to %scan3A_78 step %scan3A_79 iter_args(%scan3A_91 = %scan3A_75) -> (i32)  : i32 {
      %mul3A_92 = arith.constant 16 : i32
      %mul3A_93 = arith.muli %scan3A_90, %mul3A_92 : i32
      %add3A_94 = arith.addi %mul3A_74, %mul3A_93 : i32
      "tpu.region"() ({
        %run_scoped3A = tpu.sem_alloc : memref<!tpu.dma_semaphore, #tpu.memory_space<semaphore_mem>>
        %dma_start3A = arith.constant 0 : i32
        %dma_start3A_96 = tpu.memref_slice %arg9[%add3A_94, %dma_start3A] : memref<10240x16xf32, #tpu.memory_space<vmem_shared>> -> memref<16x16xf32, #tpu.memory_space<vmem_shared>>
        %dma_start3A_97 = arith.constant 0 : i32
        %dma_start3A_98 = tpu.memref_slice %arg9[%add3A_94, %dma_start3A_97] : memref<10240x16xf32, #tpu.memory_space<vmem_shared>> -> memref<16x16xf32, #tpu.memory_space<vmem_shared>>
        tpu.enqueue_dma source(%arg8 : memref<16x16xf32, #tpu.memory_space<vmem>>) target(%dma_start3A_98 : memref<16x16xf32, #tpu.memory_space<vmem_shared>>) target_semaphore(%run_scoped3A : memref<!tpu.dma_semaphore, #tpu.memory_space<semaphore_mem>>)
        %dma_wait3A = arith.constant 0 : i32
        %dma_wait3A_99 = tpu.memref_slice %arg9[%add3A_94, %dma_wait3A] : memref<10240x16xf32, #tpu.memory_space<vmem_shared>> -> memref<16x16xf32, #tpu.memory_space<vmem_shared>>
        %dma_wait3A_100 = arith.constant 0 : i32
        %dma_wait3A_101 = tpu.memref_slice %arg9[%add3A_94, %dma_wait3A_100] : memref<10240x16xf32, #tpu.memory_space<vmem_shared>> -> memref<16x16xf32, #tpu.memory_space<vmem_shared>>
        tpu.wait_dma2 semaphore(%run_scoped3A : memref<!tpu.dma_semaphore, #tpu.memory_space<semaphore_mem>>) src(%arg8 : memref<16x16xf32, #tpu.memory_space<vmem>>) dst(%dma_wait3A_101 : memref<16x16xf32, #tpu.memory_space<vmem_shared>>)
        tpu.yield
      }) : () -> ()
      %scan3A_95 = arith.constant 0 : i32
      scf.yield %scan3A_95 : i32
    }
    %scan3A_81 = arith.constant 40 : i32
    %barrier3A = arith.constant 0 : index
    tpu.barrier barrier_id(%barrier3A)
    %scan3A_82 = arith.constant 0 : i32
    %scan3A_83 = arith.constant 0 : i32
    %scan3A_84 = arith.constant 79 : i32
    %scan3A_85 = arith.addi %scan3A_83, %scan3A_84 : i32
    %scan3A_86 = arith.constant 1 : i32
    %scan3A_87 = scf.for %scan3A_90 = %scan3A_83 to %scan3A_85 step %scan3A_86 iter_args(%scan3A_91 = %scan3A_82) -> (i32)  : i32 {
      %dma_start3A = arith.constant 0 : i32
      %dma_start3A_92 = tpu.memref_slice %arg5[%scan3A_90, %dma_start3A] : memref<79x128xi32, #tpu.memory_space<vmem>> -> memref<1x128xi32, #tpu.memory_space<vmem>>
      %dma_start3A_93 = tpu.memref_squeeze %dma_start3A_92 : memref<1x128xi32, #tpu.memory_space<vmem>> -> memref<128xi32, #tpu.memory_space<vmem>>
      %dma_start3A_94 = arith.constant 0 : i32
      %dma_start3A_95 = arith.constant 0 : i32
      %dma_start3A_96 = tpu.memref_slice %arg2[%dma_start3A_94, %dma_start3A_95] : memref<10240x16xf32, #tpu.memory_space<hbm>> -> memref<10240x16xf32, #tpu.memory_space<hbm>>
      tpu.enqueue_indirect_dma source(%dma_start3A_96 : memref<10240x16xf32, #tpu.memory_space<hbm>>) target(%arg7 : memref<128x16xf32, #tpu.memory_space<vmem>>) offsets(%dma_start3A_93 : memref<128xi32, #tpu.memory_space<vmem>>) semaphore(%arg10 : memref<!tpu.dma_semaphore, #tpu.memory_space<semaphore_mem>>)
      %dma_wait3A = arith.constant 0 : i32
      %dma_wait3A_97 = tpu.memref_slice %arg5[%scan3A_90, %dma_wait3A] : memref<79x128xi32, #tpu.memory_space<vmem>> -> memref<1x128xi32, #tpu.memory_space<vmem>>
      %dma_wait3A_98 = tpu.memref_squeeze %dma_wait3A_97 : memref<1x128xi32, #tpu.memory_space<vmem>> -> memref<128xi32, #tpu.memory_space<vmem>>
      %dma_wait3A_99 = arith.constant 0 : i32
      %dma_wait3A_100 = arith.constant 0 : i32
      %dma_wait3A_101 = tpu.memref_slice %arg2[%dma_wait3A_99, %dma_wait3A_100] : memref<10240x16xf32, #tpu.memory_space<hbm>> -> memref<10240x16xf32, #tpu.memory_space<hbm>>
      tpu.wait_indirect_dma semaphore(%arg10 : memref<!tpu.dma_semaphore, #tpu.memory_space<semaphore_mem>>) src(%dma_wait3A_101 : memref<10240x16xf32, #tpu.memory_space<hbm>>) dst(%arg7 : memref<128x16xf32, #tpu.memory_space<vmem>>)
      "tpu.region"() ({
        %run_scoped3A = tpu.sem_alloc : memref<!tpu.dma_semaphore, #tpu.memory_space<semaphore_mem>>
        %dma_start3A_103 = arith.constant 0 : i32
        %dma_start3A_104 = tpu.memref_slice %arg6[%scan3A_90, %dma_start3A_103] : memref<79x128xi32, #tpu.memory_space<vmem>> -> memref<1x128xi32, #tpu.memory_space<vmem>>
        %dma_start3A_105 = tpu.memref_squeeze %dma_start3A_104 : memref<1x128xi32, #tpu.memory_space<vmem>> -> memref<128xi32, #tpu.memory_space<vmem>>
        %dma_start3A_106 = arith.constant 0 : i32
        %dma_start3A_107 = arith.constant 0 : i32
        %dma_start3A_108 = tpu.memref_slice %arg9[%dma_start3A_106, %dma_start3A_107] : memref<10240x16xf32, #tpu.memory_space<vmem_shared>> -> memref<10240x16xf32, #tpu.memory_space<vmem_shared>>
        tpu.enqueue_indirect_dma source(%arg7 : memref<128x16xf32, #tpu.memory_space<vmem>>) target(%dma_start3A_108 : memref<10240x16xf32, #tpu.memory_space<vmem_shared>>) offsets(%dma_start3A_105 : memref<128xi32, #tpu.memory_space<vmem>>) semaphore(%run_scoped3A : memref<!tpu.dma_semaphore, #tpu.memory_space<semaphore_mem>>) {add = true}
        %dma_wait3A_109 = arith.constant 0 : i32
        %dma_wait3A_110 = tpu.memref_slice %arg6[%scan3A_90, %dma_wait3A_109] : memref<79x128xi32, #tpu.memory_space<vmem>> -> memref<1x128xi32, #tpu.memory_space<vmem>>
        %dma_wait3A_111 = tpu.memref_squeeze %dma_wait3A_110 : memref<1x128xi32, #tpu.memory_space<vmem>> -> memref<128xi32, #tpu.memory_space<vmem>>
        %dma_wait3A_112 = arith.constant 0 : i32
        %dma_wait3A_113 = arith.constant 0 : i32
        %dma_wait3A_114 = tpu.memref_slice %arg9[%dma_wait3A_112, %dma_wait3A_113] : memref<10240x16xf32, #tpu.memory_space<vmem_shared>> -> memref<10240x16xf32, #tpu.memory_space<vmem_shared>>
        tpu.wait_indirect_dma semaphore(%run_scoped3A : memref<!tpu.dma_semaphore, #tpu.memory_space<semaphore_mem>>) src(%arg7 : memref<128x16xf32, #tpu.memory_space<vmem>>) dst(%dma_wait3A_114 : memref<10240x16xf32, #tpu.memory_space<vmem_shared>>)
        tpu.yield
      }) : () -> ()
      %scan3A_102 = arith.constant 0 : i32
      scf.yield %scan3A_102 : i32
    }
    %scan3A_88 = arith.constant 79 : i32
    %barrier3A_89 = arith.constant 0 : index
    tpu.barrier barrier_id(%barrier3A_89)
    "tpu.region"() ({
      %run_scoped3A = tpu.sem_alloc : memref<!tpu.dma_semaphore, #tpu.memory_space<semaphore_mem>>
      %dma_start3A = arith.constant 0 : i32
      %dma_start3A_90 = tpu.memref_slice %arg4[%arg0, %mul3A_74, %dma_start3A] : memref<2x10240x16xf32, #tpu.memory_space<hbm>> -> memref<1x640x16xf32, #tpu.memory_space<hbm>>
      %dma_start3A_91 = tpu.memref_squeeze %dma_start3A_90 : memref<1x640x16xf32, #tpu.memory_space<hbm>> -> memref<640x16xf32, #tpu.memory_space<hbm>>
      %dma_start3A_92 = arith.constant 0 : i32
      %dma_start3A_93 = tpu.memref_slice %arg9[%mul3A_74, %dma_start3A_92] : memref<10240x16xf32, #tpu.memory_space<vmem_shared>> -> memref<640x16xf32, #tpu.memory_space<vmem_shared>>
      tpu.enqueue_dma source(%dma_start3A_93 : memref<640x16xf32, #tpu.memory_space<vmem_shared>>) target(%dma_start3A_91 : memref<640x16xf32, #tpu.memory_space<hbm>>) target_semaphore(%run_scoped3A : memref<!tpu.dma_semaphore, #tpu.memory_space<semaphore_mem>>)
      %dma_wait3A = arith.constant 0 : i32
      %dma_wait3A_94 = tpu.memref_slice %arg4[%arg0, %mul3A_74, %dma_wait3A] : memref<2x10240x16xf32, #tpu.memory_space<hbm>> -> memref<1x640x16xf32, #tpu.memory_space<hbm>>
      %dma_wait3A_95 = tpu.memref_squeeze %dma_wait3A_94 : memref<1x640x16xf32, #tpu.memory_space<hbm>> -> memref<640x16xf32, #tpu.memory_space<hbm>>
      %dma_wait3A_96 = arith.constant 0 : i32
      %dma_wait3A_97 = tpu.memref_slice %arg9[%mul3A_74, %dma_wait3A_96] : memref<10240x16xf32, #tpu.memory_space<vmem_shared>> -> memref<640x16xf32, #tpu.memory_space<vmem_shared>>
      tpu.wait_dma2 semaphore(%run_scoped3A : memref<!tpu.dma_semaphore, #tpu.memory_space<semaphore_mem>>) src(%dma_wait3A_97 : memref<640x16xf32, #tpu.memory_space<vmem_shared>>) dst(%dma_wait3A_95 : memref<640x16xf32, #tpu.memory_space<hbm>>)
      tpu.yield
    }) : () -> ()
    return
  }
}

module attributes {stable_mosaic.version = 14 : i64} {
  func.func @_dense_body(%arg0: i32, %arg1: memref<1024x128xf32, #tpu.memory_space<vmem>>, %arg2: memref<2x1024x128xf32, #tpu.memory_space<vmem>>, %arg3: memref<1024x2xf32, #tpu.memory_space<vmem>>, %arg4: memref<128x128xf32, #tpu.memory_space<vmem>>, %arg5: memref<128x128xf32, #tpu.memory_space<vmem>>, %arg6: memref<1x128xf32, #tpu.memory_space<vmem>>, %arg7: memref<128x2xf32, #tpu.memory_space<vmem>>, %arg8: memref<128x2xf32, #tpu.memory_space<vmem>>, %arg9: memref<1x2xf32, #tpu.memory_space<vmem>>, %arg10: memref<1024x16xf32, #tpu.memory_space<vmem>>) attributes {dimension_semantics = [#tpu.dimension_semantics<arbitrary>], iteration_bounds = array<i64: 10>, scalar_prefetch = 0 : i64, scratch_operands = 0 : i64, tpu.core_type = #tpu.core_type<tc>, window_params = [{transform_indices = @transform_0, window_bounds = array<i64: 1024, 128>}, {transform_indices = @transform_1, window_bounds = array<i64: 2, 1024, 128>}, {transform_indices = @transform_2, window_bounds = array<i64: 1024, 2>}, {pipeline_mode = #tpu.pipeline_mode<synchronous>, transform_indices = @transform_3, window_bounds = array<i64: 128, 128>}, {pipeline_mode = #tpu.pipeline_mode<synchronous>, transform_indices = @transform_4, window_bounds = array<i64: 128, 128>}, {pipeline_mode = #tpu.pipeline_mode<synchronous>, transform_indices = @transform_5, window_bounds = array<i64: 1, 128>}, {pipeline_mode = #tpu.pipeline_mode<synchronous>, transform_indices = @transform_6, window_bounds = array<i64: 128, 2>}, {pipeline_mode = #tpu.pipeline_mode<synchronous>, transform_indices = @transform_7, window_bounds = array<i64: 128, 2>}, {pipeline_mode = #tpu.pipeline_mode<synchronous>, transform_indices = @transform_8, window_bounds = array<i64: 1, 2>}, {transform_indices = @transform_9, window_bounds = array<i64: 1024, 16>}]} {
    %get3A = arith.constant 0 : index
    %get3A_0 = arith.constant 0 : index
    %get3A_1 = vector.load %arg1[%get3A, %get3A_0] : memref<1024x128xf32, #tpu.memory_space<vmem>>, vector<1024x128xf32>
    %get3A_2 = arith.constant 0 : index
    %get3A_3 = arith.constant 0 : index
    %get3A_4 = arith.constant 0 : index
    %get3A_5 = vector.load %arg2[%get3A_2, %get3A_3, %get3A_4] : memref<2x1024x128xf32, #tpu.memory_space<vmem>>, vector<1x1024x128xf32>
    %get3A_6 = vector.shape_cast %get3A_5 : vector<1x1024x128xf32> to vector<1024x128xf32>
    %get3A_7 = arith.constant 1 : index
    %get3A_8 = arith.constant 0 : index
    %get3A_9 = arith.constant 0 : index
    %get3A_10 = vector.load %arg2[%get3A_7, %get3A_8, %get3A_9] : memref<2x1024x128xf32, #tpu.memory_space<vmem>>, vector<1x1024x128xf32>
    %get3A_11 = vector.shape_cast %get3A_10 : vector<1x1024x128xf32> to vector<1024x128xf32>
    %add3A = arith.addf %get3A_6, %get3A_11 : vector<1024x128xf32>
    %get3A_12 = arith.constant 0 : index
    %get3A_13 = arith.constant 0 : index
    %get3A_14 = vector.load %arg3[%get3A_12, %get3A_13] : memref<1024x2xf32, #tpu.memory_space<vmem>>, vector<1024x2xf32>
    %slice3A = vector.extract_strided_slice %get3A_14 {offsets = [0, 0], sizes = [1024, 1], strides = [1, 1]} : vector<1024x2xf32> to vector<1024x1xf32>
    %slice3A_15 = vector.extract_strided_slice %get3A_14 {offsets = [0, 1], sizes = [1024, 1], strides = [1, 1]} : vector<1024x2xf32> to vector<1024x1xf32>
    %add3A_16 = arith.addf %slice3A, %slice3A_15 : vector<1024x1xf32>
    %max3A = arith.constant 1.000000e+00 : f32
    %max3A_17 = vector.broadcast %max3A : f32 to vector<1024x1xf32>
    %max3A_18 = arith.maximumf %add3A_16, %max3A_17 : vector<1024x1xf32>
    %div3A = vector.broadcast %max3A_18 : vector<1024x1xf32> to vector<1024x128xf32>
    %div3A_19 = arith.divf %add3A, %div3A : vector<1024x128xf32>
    %get3A_20 = arith.constant 0 : index
    %get3A_21 = arith.constant 0 : index
    %get3A_22 = vector.load %arg4[%get3A_20, %get3A_21] : memref<128x128xf32, #tpu.memory_space<vmem>>, vector<128x128xf32>
    %dot_general3A = arith.constant dense<0.000000e+00> : vector<1024x128xf32>
    %dot_general3A_23 = tpu.matmul %get3A_1, %get3A_22, %dot_general3A {dimension_numbers = #tpu.dot_dimension_numbers<[1], [0], [0], [1], [0, 0, 1, 1], [], []>, transpose_lhs_hint = false} : vector<1024x128xf32>, vector<128x128xf32>, vector<1024x128xf32> -> vector<1024x128xf32>
    %get3A_24 = arith.constant 0 : index
    %get3A_25 = arith.constant 0 : index
    %get3A_26 = vector.load %arg5[%get3A_24, %get3A_25] : memref<128x128xf32, #tpu.memory_space<vmem>>, vector<128x128xf32>
    %dot_general3A_27 = arith.constant dense<0.000000e+00> : vector<1024x128xf32>
    %dot_general3A_28 = tpu.matmul %div3A_19, %get3A_26, %dot_general3A_27 {dimension_numbers = #tpu.dot_dimension_numbers<[1], [0], [0], [1], [0, 0, 1, 1], [], []>, transpose_lhs_hint = false} : vector<1024x128xf32>, vector<128x128xf32>, vector<1024x128xf32> -> vector<1024x128xf32>
    %add3A_29 = arith.addf %dot_general3A_23, %dot_general3A_28 : vector<1024x128xf32>
    %get3A_30 = arith.constant 0 : index
    %get3A_31 = arith.constant 0 : index
    %get3A_32 = vector.load %arg6[%get3A_30, %get3A_31] : memref<1x128xf32, #tpu.memory_space<vmem>>, vector<1x128xf32>
    %add3A_33 = vector.broadcast %get3A_32 : vector<1x128xf32> to vector<1024x128xf32>
    %add3A_34 = arith.addf %add3A_29, %add3A_33 : vector<1024x128xf32>
    %max3A_35 = arith.constant 0.000000e+00 : f32
    %max3A_36 = vector.broadcast %max3A_35 : f32 to vector<1024x128xf32>
    %max3A_37 = arith.maximumf %add3A_34, %max3A_36 : vector<1024x128xf32>
    %get3A_38 = arith.constant 0 : index
    %get3A_39 = arith.constant 0 : index
    %get3A_40 = vector.load %arg8[%get3A_38, %get3A_39] : memref<128x2xf32, #tpu.memory_space<vmem>>, vector<128x2xf32>
    %dot_general3A_41 = arith.constant dense<0.000000e+00> : vector<1024x2xf32>
    %dot_general3A_42 = tpu.matmul %max3A_37, %get3A_40, %dot_general3A_41 {dimension_numbers = #tpu.dot_dimension_numbers<[1], [0], [0], [1], [0, 0, 1, 1], [], []>, transpose_lhs_hint = false} : vector<1024x128xf32>, vector<128x2xf32>, vector<1024x2xf32> -> vector<1024x2xf32>
    %get3A_43 = arith.constant 0 : index
    %get3A_44 = arith.constant 0 : index
    %get3A_45 = vector.load %arg7[%get3A_43, %get3A_44] : memref<128x2xf32, #tpu.memory_space<vmem>>, vector<128x2xf32>
    %dot_general3A_46 = arith.constant dense<0.000000e+00> : vector<1024x2xf32>
    %dot_general3A_47 = tpu.matmul %max3A_37, %get3A_45, %dot_general3A_46 {dimension_numbers = #tpu.dot_dimension_numbers<[1], [0], [0], [1], [0, 0, 1, 1], [], []>, transpose_lhs_hint = false} : vector<1024x128xf32>, vector<128x2xf32>, vector<1024x2xf32> -> vector<1024x2xf32>
    %get3A_48 = arith.constant 0 : index
    %get3A_49 = arith.constant 0 : index
    %get3A_50 = vector.load %arg9[%get3A_48, %get3A_49] : memref<1x2xf32, #tpu.memory_space<vmem>>, vector<1x2xf32>
    %add3A_51 = vector.broadcast %get3A_50 : vector<1x2xf32> to vector<1024x2xf32>
    %add3A_52 = arith.addf %dot_general3A_47, %add3A_51 : vector<1024x2xf32>
    %broadcast_in_dim3A = arith.constant 0.000000e+00 : f32
    %broadcast_in_dim3A_53 = vector.broadcast %broadcast_in_dim3A : f32 to vector<1024x11xf32>
    %concatenate3A = tpu.concatenate %dot_general3A_42, %add3A_52, %add3A_16, %broadcast_in_dim3A_53 in 1 : vector<1024x2xf32>, vector<1024x2xf32>, vector<1024x1xf32>, vector<1024x11xf32> -> vector<1024x16xf32>
    %swap3A = arith.constant 0 : index
    %swap3A_54 = arith.constant 0 : index
    %swap3A_55 = vector.load %arg10[%swap3A, %swap3A_54] : memref<1024x16xf32, #tpu.memory_space<vmem>>, vector<1024x16xf32>
    tpu.vector_store %arg10[%swap3A, %swap3A_54], %concatenate3A {strides = array<i32>} : memref<1024x16xf32, #tpu.memory_space<vmem>>, vector<1024x16xf32>,
    return
  }
  func.func @transform_0(%arg0: i32) -> (i32, i32) {
    %c0_i32 = arith.constant 0 : i32
    %c0_i32_0 = arith.constant 0 : i32
    return %arg0, %c0_i32 : i32, i32
  }
  func.func @transform_1(%arg0: i32) -> (i32, i32, i32) {
    %c0_i32 = arith.constant 0 : i32
    %c0_i32_0 = arith.constant 0 : i32
    %c0_i32_1 = arith.constant 0 : i32
    return %c0_i32, %arg0, %c0_i32_0 : i32, i32, i32
  }
  func.func @transform_2(%arg0: i32) -> (i32, i32) {
    %c0_i32 = arith.constant 0 : i32
    %c0_i32_0 = arith.constant 0 : i32
    return %arg0, %c0_i32 : i32, i32
  }
  func.func @transform_3(%arg0: i32) -> (i32, i32) {
    %c0_i32 = arith.constant 0 : i32
    %c0_i32_0 = arith.constant 0 : i32
    %c0_i32_1 = arith.constant 0 : i32
    return %c0_i32, %c0_i32_0 : i32, i32
  }
  func.func @transform_4(%arg0: i32) -> (i32, i32) {
    %c0_i32 = arith.constant 0 : i32
    %c0_i32_0 = arith.constant 0 : i32
    %c0_i32_1 = arith.constant 0 : i32
    return %c0_i32, %c0_i32_0 : i32, i32
  }
  func.func @transform_5(%arg0: i32) -> (i32, i32) {
    %c0_i32 = arith.constant 0 : i32
    %c0_i32_0 = arith.constant 0 : i32
    %c0_i32_1 = arith.constant 0 : i32
    return %c0_i32, %c0_i32_0 : i32, i32
  }
  func.func @transform_6(%arg0: i32) -> (i32, i32) {
    %c0_i32 = arith.constant 0 : i32
    %c0_i32_0 = arith.constant 0 : i32
    %c0_i32_1 = arith.constant 0 : i32
    return %c0_i32, %c0_i32_0 : i32, i32
  }
  func.func @transform_7(%arg0: i32) -> (i32, i32) {
    %c0_i32 = arith.constant 0 : i32
    %c0_i32_0 = arith.constant 0 : i32
    %c0_i32_1 = arith.constant 0 : i32
    return %c0_i32, %c0_i32_0 : i32, i32
  }
  func.func @transform_8(%arg0: i32) -> (i32, i32) {
    %c0_i32 = arith.constant 0 : i32
    %c0_i32_0 = arith.constant 0 : i32
    %c0_i32_1 = arith.constant 0 : i32
    return %c0_i32, %c0_i32_0 : i32, i32
  }
  func.func @transform_9(%arg0: i32) -> (i32, i32) {
    %c0_i32 = arith.constant 0 : i32
    %c0_i32_0 = arith.constant 0 : i32
    return %arg0, %c0_i32 : i32, i32
  }
}

module attributes {stable_mosaic.version = 14 : i64} {
  func.func @_combine_body(%arg0: i32, %arg1: memref<1024x16xf32, #tpu.memory_space<vmem>>, %arg2: memref<2x1024x16xf32, #tpu.memory_space<vmem>>, %arg3: memref<1024x2xf32, #tpu.memory_space<vmem>>) attributes {dimension_semantics = [#tpu.dimension_semantics<arbitrary>], iteration_bounds = array<i64: 10>, scalar_prefetch = 0 : i64, scratch_operands = 0 : i64, tpu.core_type = #tpu.core_type<tc>, window_params = [{transform_indices = @transform_0, window_bounds = array<i64: 1024, 16>}, {transform_indices = @transform_1, window_bounds = array<i64: 2, 1024, 16>}, {transform_indices = @transform_2, window_bounds = array<i64: 1024, 2>}]} {
    %get3A = arith.constant 0 : index
    %get3A_0 = arith.constant 0 : index
    %get3A_1 = vector.load %arg1[%get3A, %get3A_0] : memref<1024x16xf32, #tpu.memory_space<vmem>>, vector<1024x16xf32>
    %get3A_2 = arith.constant 0 : index
    %get3A_3 = arith.constant 0 : index
    %get3A_4 = arith.constant 0 : index
    %get3A_5 = vector.load %arg2[%get3A_2, %get3A_3, %get3A_4] : memref<2x1024x16xf32, #tpu.memory_space<vmem>>, vector<1x1024x16xf32>
    %get3A_6 = vector.shape_cast %get3A_5 : vector<1x1024x16xf32> to vector<1024x16xf32>
    %get3A_7 = arith.constant 1 : index
    %get3A_8 = arith.constant 0 : index
    %get3A_9 = arith.constant 0 : index
    %get3A_10 = vector.load %arg2[%get3A_7, %get3A_8, %get3A_9] : memref<2x1024x16xf32, #tpu.memory_space<vmem>>, vector<1x1024x16xf32>
    %get3A_11 = vector.shape_cast %get3A_10 : vector<1x1024x16xf32> to vector<1024x16xf32>
    %add3A = arith.addf %get3A_6, %get3A_11 : vector<1024x16xf32>
    %slice3A = vector.extract_strided_slice %get3A_1 {offsets = [0, 4], sizes = [1024, 1], strides = [1, 1]} : vector<1024x16xf32> to vector<1024x1xf32>
    %max3A = arith.constant 1.000000e+00 : f32
    %max3A_12 = vector.broadcast %max3A : f32 to vector<1024x1xf32>
    %max3A_13 = arith.maximumf %slice3A, %max3A_12 : vector<1024x1xf32>
    %slice3A_14 = vector.extract_strided_slice %get3A_1 {offsets = [0, 2], sizes = [1024, 2], strides = [1, 1]} : vector<1024x16xf32> to vector<1024x2xf32>
    %slice3A_15 = vector.extract_strided_slice %add3A {offsets = [0, 0], sizes = [1024, 2], strides = [1, 1]} : vector<1024x16xf32> to vector<1024x2xf32>
    %div3A = vector.broadcast %max3A_13 : vector<1024x1xf32> to vector<1024x2xf32>
    %div3A_16 = arith.divf %slice3A_15, %div3A : vector<1024x2xf32>
    %add3A_17 = arith.addf %slice3A_14, %div3A_16 : vector<1024x2xf32>
    %swap3A = arith.constant 0 : index
    %swap3A_18 = arith.constant 0 : index
    %swap3A_19 = vector.load %arg3[%swap3A, %swap3A_18] : memref<1024x2xf32, #tpu.memory_space<vmem>>, vector<1024x2xf32>
    tpu.vector_store %arg3[%swap3A, %swap3A_18], %add3A_17 {strides = array<i32>} : memref<1024x2xf32, #tpu.memory_space<vmem>>, vector<1024x2xf32>,
    return
  }
  func.func @transform_0(%arg0: i32) -> (i32, i32) {
    %c0_i32 = arith.constant 0 : i32
    %c0_i32_0 = arith.constant 0 : i32
    return %arg0, %c0_i32 : i32, i32
  }
  func.func @transform_1(%arg0: i32) -> (i32, i32, i32) {
    %c0_i32 = arith.constant 0 : i32
    %c0_i32_0 = arith.constant 0 : i32
    %c0_i32_1 = arith.constant 0 : i32
    return %c0_i32, %arg0, %c0_i32_0 : i32, i32, i32
  }
  func.func @transform_2(%arg0: i32) -> (i32, i32) {
    %c0_i32 = arith.constant 0 : i32
    %c0_i32_0 = arith.constant 0 : i32
    return %arg0, %c0_i32 : i32, i32
  }
}

</mosaic_0001>

<sc_bundles>
// kernel: kernel.6.cloned.1.call-start
scs
__scs_entry_jumppad:
0x0: {  	(pc) =	sbr.rel $0x88, $3  }
0x1: {  	(tag) =	ssettag $0x0;
	lr =	simm.s32 $0x1  }
0x2: {  	[smem:$0x3F99] =	sst lr;
	_ =	strace $0xD0000000  }
0x3: {  	_ = 	snop  }
0x4: {  	_ = 	snop  }
0x5: {  	_ = 	snop  }
0x6: {  	_ = 	snop  }
0x7: {  	_ = 	snop  }
__scs_overlays_trampoline_lowered:
0x8: {  	[smem:$0x3FA8] =	sst s0  }
0x9: {  	[smem:$0x3FA9] =	sst s1  }
0xa: {  	[smem:$0x3FAA] =	sst s2  }
0xb: {  	[smem:$0x3FAB] =	sst s3  }
0xc: {  	[smem:$0x3FAC] =	sst s4  }
0xd: {  	[smem:$0x3FAD] =	sst s5  }
0xe: {  	[smem:$0x3FAE] =	sst s6  }
0xf: {  	[smem:$0x3FAF] =	sst s7  }
0x10: {  	[smem:$0x3FB0] =	sst s8  }
0x11: {  	[smem:$0x3FB1] =	sst s9;
	s0 =	simm.s32 @!p0 $0x0  }
0x12: {  	s1 =	sld [smem:$0x3F97];
	s0 =	simm.s32 @p0 $0x1  }
0x13: {  	[smem:$0x3FB2] =	sst s0;
	s0 =	simm.s32 @!p1 $0x0  }
0x14: {  	s2 =	sld [smem:$0x3F96];
	s0 =	simm.s32 @p1 $0x1  }
0x15: {  	[smem:$0x3FB3] =	sst s0;
	s0 =	simm.s32 @!p2 $0x0  }
0x16: {  	s3 =	sld [smem:$0x3FDB];
	s0 =	simm.s32 @p2 $0x1  }
0x17: {  	s4 =	simm.s32 $0x1BF5;
	[smem:$0x3FB5] =	sst s0  }
0x18: {  	s0 =	sld [smem:$0x3F98];
	_ =	swait.ge [sflag:s4], $0x0  }
0x19: {  	s7 =	sld [smem:$0x3F99]  }
0x1a: {  	s8 =	sadd.s32 $0xFFFFE003, lr  }
0x1b: {  	s9 =	sadd.s32 $0xFFFFFEF7, lr;
	s5 =	simm.s32 $0xFFFFFFFF;
	p2 =	slt.u32 s8, $0xFFFFF086  }
0x1c: {  	p1 =	slt.u32 s9, $0xF7A;
	s5 =	simm.s32 @!p2 $0x0  }
0x1d: {  	s5 =	simm.s32 @p1 $0x1;
	p0 =	seq.s32 s7, s2  }
0x1e: {  	s7 =	smul.u32 @!p0 $0xF7A, s2;
	p2 =	seq.s32 @!p0 s5, $0x0  }
0x1f: {  	s9 =	smul.u32 $0xF7A, s1;
	s8 =	simm.s32 @!p0 $0x1BF5;
	p2 =	por !p2, p0  }
0x20: {  	[sflag:s8] =	ssyncset.s32 @!p0 $0xFFFFF086;
	s6 =	sadd.s32 @!p0 s3, s7;
	s7 =	simm.s32 @!p0 $0x108  }
0x21: {  	s3 =	sadd.s32 s3, s9;
	s6 =	sadd.s32 @!p0 $0x88, s6;
	s7 =	simm.s32 @p2 $0x1082  }
0x22: {  	[simem:s7], [sflag:s8] =	dma.local @!p0 [hbm:s6], $0xF7A  }
0x23: {  	s9 =	sor.u32 $0xD0000000, s2;
	s6 =	simm.s32 $0x108;
	_ =	swait.ge @!p0 [sflag:s8], $0x0  }
0x24: {  	s3 =	sadd.s32 $0x88, s3;
	s6 =	simm.s32 @!p1 $0x1082;
	[sflag:s4] =	ssyncset.s32 $0xFFFFF086  }
0x25: {  	[simem:s6], [sflag:s4] =	dma.local [hbm:s3], $0xF7A  }
0x26: {  	[smem:$0x3F99] =	sst s1;
	(tag) =	ssettag s2;
	_ =	strace s9  }
0x27: {  	s1 =	sld [smem:$0x3FA9]  }
0x28: {  	s2 =	sld [smem:$0x3FAA]  }
0x29: {  	s4 =	sld [smem:$0x3FAC]  }
0x2a: {  	p0 =	seq.s32 s5, $0x0;
	s5 =	sld [smem:$0x3FAD]  }
0x2b: {  	s6 =	sld [smem:$0x3FAE]  }
0x2c: {  	s7 =	sld [smem:$0x3FAF]  }
0x2d: {  	s3 =	simm.s32 $0x108;
	s8 =	sld [smem:$0x3FB0]  }
0x2e: {  	s3 =	simm.s32 @!p0 $0x1082;
	s9 =	sld [smem:$0x3FB1]  }
0x2f: {  	lr =	sadd.s32 s0, s3;
	s0 =	sld [smem:$0x3FA8]  }
0x30: {  	s3 =	sld [smem:$0x3FAB]  }
0x31: {  	[smem:$0x3FB4] =	sst s10  }
0x32: {  	s10 =	sld [smem:$0x3FB2];
	_ =	sdelay $0x3  }
0x33: {  	p0 =	seq.s32 s10, $0x1;
	s10 =	sld [smem:$0x3FB4];
	_ =	sdelay $0x3  }
0x34: {  	[smem:$0x3FB4] =	sst s10  }
0x35: {  	s10 =	sld [smem:$0x3FB3];
	_ =	sdelay $0x3  }
0x36: {  	p1 =	seq.s32 s10, $0x1;
	s10 =	sld [smem:$0x3FB4];
	_ =	sdelay $0x3  }
0x37: {  	[smem:$0x3FB4] =	sst s10  }
0x38: {  	s10 =	sld [smem:$0x3FB5]  }
0x39: {  	_ = 	snop;
	(pc) =	sbr.ind lr, $3  }
0x3a: {  	_ = 	snop  }
0x3b: {  	_ = 	snop  }
0x3c: {  	p2 =	seq.s32 s10, $0x1;
	s10 =	sld [smem:$0x3FB4]  }
0x3d: {  	_ =	shalt  }
0x3e: {  	_ =	shalt  }
0x3f: {  	_ =	shalt  }
0x40: {  	_ =	shalt  }
0x41: {  	_ =	shalt  }
0x42: {  	_ =	shalt  }
0x43: {  	_ =	shalt  }
0x44: {  	_ =	shalt  }
0x45: {  	_ =	shalt  }
0x46: {  	_ =	shalt  }
0x47: {  	_ =	shalt  }
0x48: {  	_ =	shalt  }
0x49: {  	_ =	shalt  }
0x4a: {  	_ =	shalt  }
0x4b: {  	_ =	shalt  }
0x4c: {  	_ =	shalt  }
0x4d: {  	_ =	shalt  }
0x4e: {  	_ =	shalt  }
0x4f: {  	_ =	shalt  }
0x50: {  	_ =	shalt  }
0x51: {  	_ =	shalt  }
0x52: {  	_ =	shalt  }
0x53: {  	_ =	shalt  }
0x54: {  	_ =	shalt  }
0x55: {  	_ =	shalt  }
0x56: {  	_ =	shalt  }
0x57: {  	_ =	shalt  }
0x58: {  	_ =	shalt  }
0x59: {  	_ =	shalt  }
0x5a: {  	_ =	shalt  }
0x5b: {  	_ =	shalt  }
0x5c: {  	_ =	shalt  }
0x5d: {  	_ =	shalt  }
0x5e: {  	_ =	shalt  }
0x5f: {  	_ =	shalt  }
0x60: {  	_ =	shalt  }
0x61: {  	_ =	shalt  }
0x62: {  	_ =	shalt  }
0x63: {  	_ =	shalt  }
0x64: {  	_ =	shalt  }
0x65: {  	_ =	shalt  }
0x66: {  	_ =	shalt  }
0x67: {  	_ =	shalt  }
0x68: {  	_ =	shalt  }
0x69: {  	_ =	shalt  }
0x6a: {  	_ =	shalt  }
0x6b: {  	_ =	shalt  }
0x6c: {  	_ =	shalt  }
0x6d: {  	_ =	shalt  }
0x6e: {  	_ =	shalt  }
0x6f: {  	_ =	shalt  }
0x70: {  	_ =	shalt  }
0x71: {  	_ =	shalt  }
0x72: {  	_ =	shalt  }
0x73: {  	_ =	shalt  }
0x74: {  	_ =	shalt  }
0x75: {  	_ =	shalt  }
0x76: {  	_ =	shalt  }
0x77: {  	_ =	shalt  }
0x78: {  	_ =	shalt  }
0x79: {  	_ =	shalt  }
0x7a: {  	_ =	shalt  }
0x7b: {  	_ =	shalt  }
0x7c: {  	_ =	shalt  }
0x7d: {  	_ =	shalt  }
0x7e: {  	_ =	shalt  }
0x7f: {  	_ =	shalt  }
0x80: {  	_ =	shalt  }
0x81: {  	_ =	shalt  }
0x82: {  	_ =	shalt  }
0x83: {  	_ =	shalt  }
0x84: {  	_ =	shalt  }
0x85: {  	_ =	shalt  }
0x86: {  	_ =	shalt  }
0x87: {  	_ =	shalt  }
.Lfunc_end0:
.L_simem_size_0:
called_computation_lowered:
.L_overlay_start_0:
0x88: {  	s2 =	sld [smem:$0x3FD9]  }
0x89: {  	s3 =	sld [smem:$0x3FFE];
	_ =	sdelay $0x1  }
0x8a: {  	s1 =	srdreg.scid  }
0x8b: {  	s0 =	sand.u32 $0x1, s1  }
0x8c: {  	s16 =	sshll.u32 s0, $0xA;
	s2 =	sadd.s32 s3, s2  }
0x8d: {  	s2 =	sadd.s32 s2, s16  }
0x8e: {  	[smem:$0x3FC0] =	sst s2  }
0x8f: {  	_ = 	snop  }
0x90: {  	(tm) =	ssettm $0x1  }
0x91: {  	s17 =	sld [smem:$0x3FFB];
	_ =	sdelay $0x3  }
0x92: {  	_ =	strace s17  }
0x93: {  	s2 =	sld [smem:$0x3FFC];
	_ =	sdelay $0x3  }
0x94: {  	_ =	strace s2  }
0x95: {  	s2 =	sld [smem:$0x3FFD];
	_ =	sdelay $0x3  }
0x96: {  	_ =	strace s2  }
0x97: {  	_ =	strace $0x8FFFFFFF  }
0x98: {  	s18 =	sld [smem:$0x3FDB];
	_ =	sdelay $0x1  }
0x99: {  	s19 =	simm.s32 $_scs_section_size  }
0x9a: {  	s4 =	simm.s32 $_size__tile_overlayer_lowered;
	s5 =	simm.s32 $_tile_overlayer_lowered  }
0x9b: {  	s22 =	simm.s32 $0x1BFF;
	s21 =	sshll.u32 s5, $0x1;
	s2 =	sadd.s32 s19, s18  }
0x9c: {  	s6 =	simm.s32 $0x0;
	s20 =	sshll.u32 s4, $0x1;
	s4 =	sadd.s32 s21, s2  }
0x9d: {  	[timem:s6], [sflag:s22] =	dma.local [hbm:s4], s20  }
0x9e: {  	_ =	swait.ge [sflag:s22], s20  }
0x9f: {  	s3 =	ssub.s32 $0x0, s20;
	[sflag:s22] =	ssyncset.done $0x0  }
0xa0: {  	[sflag:s22] =	ssyncadd.s32 s3;
	_ =	sdelay $0x1  }
0xa1: {  	s23 =	simm.s32 $0x1B8B  }
0xa2: {  	_ =	swait.ge [sflag:s23], $0x1  }
0xa3: {  	[sflag:s23] =	ssyncset.done $0x0  }
0xa4: {  	s25 =	simm.s32 $0x1B8E;
	s24 =	sld [smem:$0x3FFE];
	[sflag:s23] =	ssyncadd.s32 $0xFFFFFFFF  }
0xa5: {  	s26 =	simm.s32 $execute0_lowered;
	[smem:$0x3FD2] =	sst s25  }
0xa6: {  	s4 =	sshll.u32 s26, $0x1;
	_ =	strace $0x80000046;
	[dreg:$0x1] =	wrdreg $0xFFFFFFFF  }
0xa7: {  	s28 =	simm.s32 $_size_execute0_lowered;
	s2 =	sadd.s32 s2, s4;
	[dreg:$0x0] =	wrdreg $0x0  }
0xa8: {  	s4 =	sshll.u32 s28, $0x1;
	[dreg:$0x2] =	wrdreg s2  }
0xa9: {  	[dreg:$0x3] =	wrdreg s4  }
0xaa: {  	[dreg:$0x4] =	wrdreg $0xC0  }
0xab: {  	_ =	task [dreg:s6], $0x5FFFF  }
0xac: {  	[dreg:$0x1] =	wrdreg $0xFFFFFFFF  }
0xad: {  	[dreg:$0x0] =	wrdreg $0x60  }
0xae: {  	[dreg:$0x2] =	wrdreg s24  }
0xaf: {  	[dreg:$0x3] =	wrdreg $0xBF100  }
0xb0: {  	[dreg:$0x4] =	wrdreg $0x9  }
0xb1: {  	_ =	task.clear_ibuf [dreg:s6], $0x5FFFF;
	_ =	strace $0x90000046  }
0xb2: {  	s29 =	simm.s32 $0x9;
	_ =	strace $0x80000048  }
0xb3: {  	_ =	swait.ge [sflag:s29], $0x1  }
0xb4: {  	[sflag:s29] =	ssyncadd.s32 $0xFFFFFFFF  }
0xb5: {  	_ =	strace $0x90000048  }
0xb6: {  	_ =	sfence  }
0xb7: {  	s30 =	sld [smem:$0x0];
	_ =	sdelay $0x2  }
0xb8: {  	s31 =	sshll.u32 s1, $0xD;
	s1 =	sshrl.u32 s1, $0x2  }
0xb9: {  	s3 =	sand.u32 $0x4000, s31;
	s1 =	sadd.s32 s1, s30  }
0xba: {  	s0 =	sor.u32 s3, s0;
	s1 =	sshll.u32 s1, $0x11  }
0xbb: {  	s0 =	sor.u32 s1, s0  }
0xbc: {  	s0 =	sadd.s32 $0x8F2B, s0  }
0xbd: {  	[sflag:s0] =	ssyncadd.remote.s32 $0x1  }
0xbe: {  	_ =	sfence.sel $0xFFFF  }
0xbf: {  	[dreg:$0x0] =	wrdreg $0xFFFFFFFF;
	(pc) =	sbr.abs _section_cstart, $3  }
0xc0: {  	[dreg:$0x1] =	wrdreg $0xFFFFFFFF  }
0xc1: {  	_ =	task.clear_ibuf [dreg:s6], $0x2FFFF;
	_ =	strace $0x9FFFFFFF  }
0xc2: {  	(tm) =	ssettm $0x7FFFFFFF  }
0xc3: {  	_ =	shalt  }
tec
execute0_lowered:
.L_overlay_start_1:
0x0: {  	(tag) =	ssettag $0x1  }
0x1: {  	s5 =	rddreg [dreg:$0x0]  }
0x2: {  	s1 =	rddreg [dreg:$0x1]  }
0x3: {  	s2 =	srdreg.scid;
	s0 =	rddreg [dreg:$0x2]  }
0x4: {  	s3 =	simm.s32 $0x0;
	s12 =	simm.s32 $0x4F00;
	s13 =	simm.s32 $0x1  }
0x5: {  	s14 =	simm.s32 $0x9700;
	s15 =	simm.s32 $0x10;
	s16 =	simm.s32 $0xBF00  }
0x6: {  	s17 =	simm.s32 $0x9F00;
	s18 =	simm.s32 $0xA700;
	s19 =	simm.s32 $0xAF00  }
0x7: {  	s20 =	simm.s32 $0xB700;
	s6 =	sand.u32 $0x1, s2;
	s2 =	stileid.u32  }
0x8: {  	s22 =	simm.s32 $0x0;
	[smem:$0x7FF] =	sst s3;
	s7 =	smul.u32 $0x140000, s6  }
0x9: {  	s4 =	sshll.u32 s6, $0x4;
	s8 =	smul.u32 $0x14000, s2;
	_ =	strace $0x80000047  }
0xa: {  	s6 =	ssub.s32 $0x2, s6;
	s10 =	smul.u32 $0x50000, s2;
	s9 =	sor.u32 s2, s4  }
0xb: {  	s4 =	sadd.s32 $0xB200, s5;
	s30 =	sshrl.u32 s6, $0x1;
	s9 =	smul.u32 $0x4F0, s9  }
0xc: {  	s7 =	sadd.s32 s8, s7;
	s11 =	ssub.s32 s6, s30;
	s31 =	sshrl.u32 s10, $0x2  }
0xd: {  	s21 =	sadd.s32 s8, s1;
	s10 =	simm.s32 $0x8F00;
	s7 =	sshrl.u32 s7, $0x3  }
0xe: {  	v0 =	vimm.f32 $0.0e+00;
	v6 =	vlaneseq.u32;
	s6 =	sadd.s32 s31, s1;
	s8 =	smax.u32 s11, $0x1;
	s11 =	simm.s32 $0x80  }
0xf: {  	v1 =	vimm.f32 $1.000000000e+00;
	v2 =	vor.u32 $0x2720, v6;
	v3 =	vor.u32 $0x2730, v6;
	s21 =	sshrl.u32 s21, $0x3;
	s9 =	sadd.s32 s9, s5;
	s7 =	sadd.s32 s7, s5  }
0x10: {  	v4 =	vor.u32 $0x2740, v6;
	v5 =	vor.u32 $0x2750, v6;
	v6 =	vor.u32 $0x2760, v6;
	s5 =	sadd.s32 $0x1400, s9;
	s7 =	sadd.s32 $0x33200, s7;
	s9 =	simm.s32 $0x2  }
.LBB2_1:
0x11: {  	[tilespmem:s3], [sflag:$0x2] =	stream.linear.gather [hbm4b:s5+s3], $0x2780, $0x38;
	[tilespmem:$0x1FF10] =	vst v63  }
0x12: {  	_ =	swait.ge [sflag:s9], $0x2780  }
0x13: {  	[sflag:s9] =	ssyncset.done $0x0  }
0x14: {  	s23 =	simm.s32 $0x0;
	[sflag:s9] =	ssyncadd.s32 $0xFFFFD880  }
0x15: {  	v7 =	vld [tilespmem:s23+$0x0];
	_ =	sdelay $0x4  }
0x16: {  	v8 =	vshrl.u32 v7, $0xE  }
0x17: {  	s25 =	simm.s32 $0x10;
	s24 =	simm.s32 $0x80;
	v7 =	vand.u32 $0x3FFF, v7;
	[tilespmem:s23+$0x0] =	vst v8  }
.LBB2_2:
0x18: {  	p0 =	sne.s32 s24, $0x9DC0;
	v8 =	vld [tilespmem:s25+$0x0];
	[tilespmem:s23+$0x2780] =	vst v7;
	s23 =	smov.u32 s25;
	_ =	sdelay $0x1  }
.Ltmp0:
0x19: {  	(pc) =	sbr.rel @p0 .LBB2_2-.Ltmp0, $3  }
0x1a: {  	_ =	sdelay $0x1  }
0x1b: {  	v7 =	vand.u32 $0x3FFF, v8;
	v8 =	vshrl.u32 v8, $0xE  }
0x1c: {  	s25 =	sshra.s32 s24, $0x2;
	s24 =	sadd.s32 $0x40, s24;
	[tilespmem:s23+$0x0] =	vst v8  }
0x1d: {  	v8 =	vld [tilespmem:s25+$0x0];
	_ =	sdelay $0x4  }
0x1e: {  	[tilespmem:s23+$0x2780] =	vst v7;
	v7 =	vshrl.u32 v8, $0xE  }
0x1f: {  	v8 =	vand.u32 $0x3FFF, v8;
	[tilespmem:s25+$0x0] =	vst v7  }
0x20: {  	[tilespmem:s25+$0x2780] =	vst v8  }
0x21: {  	[tilespmem:$0x8F00] =	vst v0  }
0x22: {  	[tilespmem:$0x8F10] =	vst v0  }
0x23: {  	[tilespmem:$0x8F20] =	vst v0  }
0x24: {  	[tilespmem:$0x8F30] =	vst v0  }
0x25: {  	[tilespmem:$0x8F40] =	vst v0  }
0x26: {  	[tilespmem:$0x8F50] =	vst v0  }
0x27: {  	[tilespmem:$0x8F60] =	vst v0  }
0x28: {  	[tilespmem:$0x8F70] =	vst v0  }
0x29: {  	[tilespmem:$0x8F80] =	vst v0  }
0x2a: {  	[tilespmem:$0x8F90] =	vst v0  }
0x2b: {  	[tilespmem:$0x8FA0] =	vst v0  }
0x2c: {  	[tilespmem:$0x8FB0] =	vst v0  }
0x2d: {  	[tilespmem:$0x8FC0] =	vst v0  }
0x2e: {  	[tilespmem:$0x8FD0] =	vst v0  }
0x2f: {  	[tilespmem:$0x8FE0] =	vst v0  }
0x30: {  	[tilespmem:$0x8FF0] =	vst v0  }
0x31: {  	[tilespmem:$0x9000] =	vst v0  }
0x32: {  	[tilespmem:$0x9010] =	vst v0  }
0x33: {  	[tilespmem:$0x9020] =	vst v0  }
0x34: {  	[tilespmem:$0x9030] =	vst v0  }
0x35: {  	[tilespmem:$0x9040] =	vst v0  }
0x36: {  	[tilespmem:$0x9050] =	vst v0  }
0x37: {  	[tilespmem:$0x9060] =	vst v0  }
0x38: {  	[tilespmem:$0x9070] =	vst v0  }
0x39: {  	[tilespmem:$0x9080] =	vst v0  }
0x3a: {  	[tilespmem:$0x9090] =	vst v0  }
0x3b: {  	[tilespmem:$0x90A0] =	vst v0  }
0x3c: {  	[tilespmem:$0x90B0] =	vst v0  }
0x3d: {  	[tilespmem:$0x90C0] =	vst v0  }
0x3e: {  	[tilespmem:$0x90D0] =	vst v0  }
0x3f: {  	[tilespmem:$0x90E0] =	vst v0  }
0x40: {  	[tilespmem:$0x90F0] =	vst v0  }
0x41: {  	[tilespmem:$0x9100] =	vst v0  }
0x42: {  	[tilespmem:$0x9110] =	vst v0  }
0x43: {  	[tilespmem:$0x9120] =	vst v0  }
0x44: {  	[tilespmem:$0x9130] =	vst v0  }
0x45: {  	[tilespmem:$0x9140] =	vst v0  }
0x46: {  	[tilespmem:$0x9150] =	vst v0  }
0x47: {  	[tilespmem:$0x9160] =	vst v0  }
0x48: {  	[tilespmem:$0x9170] =	vst v0  }
0x49: {  	[tilespmem:$0x9180] =	vst v0  }
0x4a: {  	[tilespmem:$0x9190] =	vst v0  }
0x4b: {  	[tilespmem:$0x91A0] =	vst v0  }
0x4c: {  	[tilespmem:$0x91B0] =	vst v0  }
0x4d: {  	[tilespmem:$0x91C0] =	vst v0  }
0x4e: {  	[tilespmem:$0x91D0] =	vst v0  }
0x4f: {  	[tilespmem:$0x91E0] =	vst v0  }
0x50: {  	[tilespmem:$0x91F0] =	vst v0  }
0x51: {  	[tilespmem:$0x9200] =	vst v0  }
0x52: {  	[tilespmem:$0x9210] =	vst v0  }
0x53: {  	[tilespmem:$0x9220] =	vst v0  }
0x54: {  	[tilespmem:$0x9230] =	vst v0  }
0x55: {  	[tilespmem:$0x9240] =	vst v0  }
0x56: {  	[tilespmem:$0x9250] =	vst v0  }
0x57: {  	[tilespmem:$0x9260] =	vst v0  }
0x58: {  	[tilespmem:$0x9270] =	vst v0  }
0x59: {  	[tilespmem:$0x9280] =	vst v0  }
0x5a: {  	[tilespmem:$0x9290] =	vst v0  }
0x5b: {  	[tilespmem:$0x92A0] =	vst v0  }
0x5c: {  	[tilespmem:$0x92B0] =	vst v0  }
0x5d: {  	[tilespmem:$0x92C0] =	vst v0  }
0x5e: {  	[tilespmem:$0x92D0] =	vst v0  }
0x5f: {  	[tilespmem:$0x92E0] =	vst v0  }
0x60: {  	[tilespmem:$0x92F0] =	vst v0  }
0x61: {  	[tilespmem:$0x9300] =	vst v0  }
0x62: {  	[tilespmem:$0x9310] =	vst v0  }
0x63: {  	[tilespmem:$0x9320] =	vst v0  }
0x64: {  	[tilespmem:$0x9330] =	vst v0  }
0x65: {  	[tilespmem:$0x9340] =	vst v0  }
0x66: {  	[tilespmem:$0x9350] =	vst v0  }
0x67: {  	[tilespmem:$0x9360] =	vst v0  }
0x68: {  	[tilespmem:$0x9370] =	vst v0  }
0x69: {  	[tilespmem:$0x9380] =	vst v0  }
0x6a: {  	[tilespmem:$0x9390] =	vst v0  }
0x6b: {  	[tilespmem:$0x93A0] =	vst v0  }
0x6c: {  	[tilespmem:$0x93B0] =	vst v0  }
0x6d: {  	[tilespmem:$0x93C0] =	vst v0  }
0x6e: {  	[tilespmem:$0x93D0] =	vst v0  }
0x6f: {  	[tilespmem:$0x93E0] =	vst v0  }
0x70: {  	[tilespmem:$0x93F0] =	vst v0  }
0x71: {  	[tilespmem:$0x9400] =	vst v0  }
0x72: {  	[tilespmem:$0x9410] =	vst v0  }
0x73: {  	[tilespmem:$0x9420] =	vst v0  }
0x74: {  	[tilespmem:$0x9430] =	vst v0  }
0x75: {  	[tilespmem:$0x9440] =	vst v0  }
0x76: {  	[tilespmem:$0x9450] =	vst v0  }
0x77: {  	[tilespmem:$0x9460] =	vst v0  }
0x78: {  	[tilespmem:$0x9470] =	vst v0  }
0x79: {  	[tilespmem:$0x9480] =	vst v0  }
0x7a: {  	[tilespmem:$0x9490] =	vst v0  }
0x7b: {  	[tilespmem:$0x94A0] =	vst v0  }
0x7c: {  	[tilespmem:$0x94B0] =	vst v0  }
0x7d: {  	[tilespmem:$0x94C0] =	vst v0  }
0x7e: {  	[tilespmem:$0x94D0] =	vst v0  }
0x7f: {  	[tilespmem:$0x94E0] =	vst v0  }
0x80: {  	[tilespmem:$0x94F0] =	vst v0  }
0x81: {  	[tilespmem:$0x9500] =	vst v0  }
0x82: {  	[tilespmem:$0x9510] =	vst v0  }
0x83: {  	[tilespmem:$0x9520] =	vst v0  }
0x84: {  	[tilespmem:$0x9530] =	vst v0  }
0x85: {  	[tilespmem:$0x9540] =	vst v0  }
0x86: {  	[tilespmem:$0x9550] =	vst v0  }
0x87: {  	[tilespmem:$0x9560] =	vst v0  }
0x88: {  	[tilespmem:$0x9570] =	vst v0  }
0x89: {  	[tilespmem:$0x9580] =	vst v0  }
0x8a: {  	[tilespmem:$0x9590] =	vst v0  }
0x8b: {  	[tilespmem:$0x95A0] =	vst v0  }
0x8c: {  	[tilespmem:$0x95B0] =	vst v0  }
0x8d: {  	[tilespmem:$0x95C0] =	vst v0  }
0x8e: {  	[tilespmem:$0x95D0] =	vst v0  }
0x8f: {  	[tilespmem:$0x95E0] =	vst v0  }
0x90: {  	[tilespmem:$0x95F0] =	vst v0  }
0x91: {  	[tilespmem:$0x9600] =	vst v0  }
0x92: {  	[tilespmem:$0x9610] =	vst v0  }
0x93: {  	[tilespmem:$0x9620] =	vst v0  }
0x94: {  	[tilespmem:$0x9630] =	vst v0  }
0x95: {  	[tilespmem:$0x9640] =	vst v0  }
0x96: {  	[tilespmem:$0x9650] =	vst v0  }
0x97: {  	[tilespmem:$0x9660] =	vst v0  }
0x98: {  	[tilespmem:$0x9670] =	vst v0  }
0x99: {  	[tilespmem:$0x9680] =	vst v0  }
0x9a: {  	[tilespmem:$0x9690] =	vst v0  }
0x9b: {  	[tilespmem:$0x96A0] =	vst v0  }
0x9c: {  	[tilespmem:$0x96B0] =	vst v0  }
0x9d: {  	[tilespmem:$0x96C0] =	vst v0  }
0x9e: {  	[tilespmem:$0x96D0] =	vst v0  }
0x9f: {  	[tilespmem:$0x96E0] =	vst v0  }
0xa0: {  	s31 =	sadd.s32 $0x0, s6;
	[tilespmem:$0x96F0] =	vst v0  }
0xa1: {  	[spmem:s31] =	stream.linear.scatter [tilespmem:s10], [sflag:$0x2], $0x800, $0x38;
	[tilespmem:$0x1FF10] =	vst v63  }
0xa2: {  	s23 =	simm.s32 $0x0;
	s24 =	simm.s32 $0x2000;
	_ =	swait.ge [sflag:s9], $0x800  }
.LBB2_4:
0xa3: {  	s25 =	sshra.s32 s24, $0x2;
	[sflag:s9] =	ssyncset.done $0x0;
	p0 =	sne.s32 s24, $0x4E000  }
.Ltmp1:
0xa4: {  	s25 =	sadd.s32 s25, s6;
	[sflag:s9] =	ssyncadd.s32 $0xFFFFF800;
	(pc) =	sbr.rel @p0 .LBB2_4-.Ltmp1, $3  }
0xa5: {  	[spmem:s25] =	stream.linear.scatter [tilespmem:s10], [sflag:$0x2], $0x800, $0x38;
	[tilespmem:$0x1FF10] =	vst v63  }
0xa6: {  	s24 =	sadd.s32 $0x2000, s24;
	_ =	sdelay $0x1  }
0xa7: {  	_ =	swait.ge [sflag:s9], $0x800  }
0xa8: {  	s24 =	sand.u32 $0xFE00, s23  }
0xa9: {  	[sflag:s9] =	ssyncset.done $0x0;
	s25 =	sand.u32 $0x70, s23;
	s26 =	sshrl.u32 s24, $0x2  }
0xaa: {  	[sflag:s9] =	ssyncadd.s32 $0xFFFFF800;
	s24 =	simm.s32 $0x40;
	s25 =	sor.u32 s25, s26  }
.LBB2_6:
0xab: {  	p0 =	sne.s32 s24, $0x9FC0  }
0xac: {  	[tilespmem:s25+$0x9700] =	vst v0;
	s23 =	sadd.s32 $0x10, s23;
	s25 =	smov.u32 s24;
	s24 =	sadd.s32 $0x40, s24  }
.Ltmp2:
0xad: {  	(pc) =	sbr.rel @p0 .LBB2_6-.Ltmp2, $4  }
0xae: {  	_ = 	snop  }
0xaf: {  	s25 =	sand.u32 $0xFE00, s25  }
0xb0: {  	s26 =	sand.u32 $0x70, s23;
	s25 =	sshrl.u32 s25, $0x2  }
0xb1: {  	s25 =	sor.u32 s26, s25  }
0xb2: {  	[tilespmem:s25+$0x9700] =	vst v0  }
0xb3: {  	s23 =	simm.s32 $0x0;
	[bflag:$0x0] =	sbarrier.arrive $0xFFFF  }
.LBB2_8:
0xb4: {  	s24 =	sshra.s32 s23, $0x2  }
0xb5: {  	[tilespmem:s12], [sflag:$0x1] =	stream.indirect.gather [hbm4b:s4+s11], $0x80, s24, s11, $0xb8;
	[tilespmem:$0x1FF10] =	vst v63  }
0xb6: {  	_ =	swait.ge [sflag:s13], $0x4000  }
0xb7: {  	[sflag:s13] =	ssyncset.done $0x0  }
0xb8: {  	s25 =	sadd.s32 $0x2780, s24;
	[sflag:s13] =	ssyncadd.s32 $0xFFFFC000  }
0xb9: {  	[spmem:s1] =	stream.indirect.scatter.add.f32 [tilespmem:s12], [sflag:$0x2], $0x80, s25, s11, $0xb8;
	[tilespmem:$0x1FF10] =	vst v63  }
0xba: {  	_ =	swait.ge [sflag:s9], $0x4000  }
0xbb: {  	[sflag:s9] =	ssyncset.done $0x0  }
0xbc: {  	[sflag:s9] =	ssyncadd.s32 $0xFFFFC000  }
0xbd: {  	v7 =	vld [tilespmem:s24+$0x2780];
	_ =	sdelay $0x7  }
0xbe: {  	[tilespmem:v7+s14+$0x0] =	vst.idx.add.f32.msk $0xffff, v1  }
0xbf: {  	v7 =	vld [tilespmem:s24+$0x2790];
	_ =	sdelay $0x7  }
0xc0: {  	[tilespmem:v7+s14+$0x0] =	vst.idx.add.f32.msk $0xffff, v1  }
0xc1: {  	v7 =	vld [tilespmem:s24+$0x27A0];
	_ =	sdelay $0x7  }
0xc2: {  	[tilespmem:v7+s14+$0x0] =	vst.idx.add.f32.msk $0xffff, v1  }
0xc3: {  	v7 =	vld [tilespmem:s24+$0x27B0];
	_ =	sdelay $0x7  }
0xc4: {  	[tilespmem:v7+s14+$0x0] =	vst.idx.add.f32.msk $0xffff, v1  }
0xc5: {  	v7 =	vld [tilespmem:s24+$0x27C0];
	_ =	sdelay $0x7  }
0xc6: {  	[tilespmem:v7+s14+$0x0] =	vst.idx.add.f32.msk $0xffff, v1  }
0xc7: {  	v7 =	vld [tilespmem:s24+$0x27D0];
	_ =	sdelay $0x7  }
0xc8: {  	[tilespmem:v7+s14+$0x0] =	vst.idx.add.f32.msk $0xffff, v1  }
0xc9: {  	v7 =	vld [tilespmem:s24+$0x27E0];
	_ =	sdelay $0x7  }
0xca: {  	[tilespmem:v7+s14+$0x0] =	vst.idx.add.f32.msk $0xffff, v1  }
0xcb: {  	v7 =	vld [tilespmem:s24+$0x27F0];
	_ =	sdelay $0x2  }
0xcc: {  	p0 =	sne.s32 s23, $0x9C00  }
.Ltmp3:
0xcd: {  	_ = 	snop;
	(pc) =	sbr.rel @p0 .LBB2_8-.Ltmp3, $2  }
0xce: {  	_ =	sdelay $0x2  }
0xcf: {  	s23 =	sadd.s32 $0x200, s23;
	[tilespmem:v7+s14+$0x0] =	vst.idx.add.f32.msk $0xffff, v1  }
0xd0: {  	[bflag:$0x0] =	sbarrier.arrive $0xFFFF  }
0xd1: {  	[tilespmem:$0xBF00] =	vst v2  }
0xd2: {  	[spmem:s1] =	stream.indirect.scatter.add.f32 [tilespmem:s14], [sflag:$0x2], $0x80, s16, s15, $0xb8;
	[tilespmem:$0x1FF10] =	vst v63  }
0xd3: {  	_ =	swait.ge [sflag:s9], $0x800  }
0xd4: {  	[sflag:s9] =	ssyncset.done $0x0  }
0xd5: {  	[sflag:s9] =	ssyncadd.s32 $0xFFFFF800  }
0xd6: {  	[tilespmem:$0xBF00] =	vst v3  }
0xd7: {  	[spmem:s1] =	stream.indirect.scatter.add.f32 [tilespmem:s17], [sflag:$0x2], $0x80, s16, s15, $0xb8;
	[tilespmem:$0x1FF10] =	vst v63  }
0xd8: {  	_ =	swait.ge [sflag:s9], $0x800  }
0xd9: {  	[sflag:s9] =	ssyncset.done $0x0  }
0xda: {  	[sflag:s9] =	ssyncadd.s32 $0xFFFFF800  }
0xdb: {  	[tilespmem:$0xBF00] =	vst v4  }
0xdc: {  	[spmem:s1] =	stream.indirect.scatter.add.f32 [tilespmem:s18], [sflag:$0x2], $0x80, s16, s15, $0xb8;
	[tilespmem:$0x1FF10] =	vst v63  }
0xdd: {  	_ =	swait.ge [sflag:s9], $0x800  }
0xde: {  	[sflag:s9] =	ssyncset.done $0x0  }
0xdf: {  	[sflag:s9] =	ssyncadd.s32 $0xFFFFF800  }
0xe0: {  	[tilespmem:$0xBF00] =	vst v5  }
0xe1: {  	[spmem:s1] =	stream.indirect.scatter.add.f32 [tilespmem:s19], [sflag:$0x2], $0x80, s16, s15, $0xb8;
	[tilespmem:$0x1FF10] =	vst v63  }
0xe2: {  	_ =	swait.ge [sflag:s9], $0x800  }
0xe3: {  	[sflag:s9] =	ssyncset.done $0x0  }
0xe4: {  	[sflag:s9] =	ssyncadd.s32 $0xFFFFF800  }
0xe5: {  	[tilespmem:$0xBF00] =	vst v6  }
0xe6: {  	[spmem:s1] =	stream.indirect.scatter.add.f32 [tilespmem:s20], [sflag:$0x2], $0x80, s16, s15, $0xb8;
	[tilespmem:$0x1FF10] =	vst v63  }
0xe7: {  	_ =	swait.ge [sflag:s9], $0x800  }
0xe8: {  	s22 =	sadd.s32 $0x1, s22;
	[sflag:s9] =	ssyncset.done $0x0  }
0xe9: {  	s23 =	sshll.u32 s2, $0x6;
	p0 =	sne.s32 s22, s8;
	[sflag:s9] =	ssyncadd.s32 $0xFFFFF800  }
.Ltmp4:
0xea: {  	s23 =	sor.u32 $0x1C02, s23;
	[bflag:$0x0] =	sbarrier.arrive $0xFFFF;
	(pc) =	sbr.rel @p0 .LBB2_1-.Ltmp4, $4  }
0xeb: {  	[hbm:s7], [sflag:s23] =	dma.local [spmem:s21], $0x2800  }
0xec: {  	_ =	swait.ge [sflag:s9], $0x2800  }
0xed: {  	[sflag:s9] =	ssyncset.done $0x0  }
0xee: {  	[sflag:s9] =	ssyncadd.s32 $0xFFFFD800  }
0xef: {  	_ =	sfence.sel $0x180000  }
0xf0: {  	[bflag:$0x0] =	sbarrier.arrive $0xFFFF  }
0xf1: {  	p0 =	sne.s32 s2, $0x0;
	_ =	strace $0x90000047  }
0xf2: {  	s0 =	sadd.s32 @!p0 $0x100000, s0;
	[bflag:$0x2] =	sbarrier.arrive $0xFFFF  }
0xf3: {  	[sflag:s0] =	ssyncadd.tile.s32 @!p0 $0x1;
	_ =	shalt  }
.Lfunc_end2:
_tile_overlayer_lowered:
.L_overlay_start_2:
0xf4: {  	(tag) =	ssettag $0x2  }
0xf5: {  	s0 =	rddreg [dreg:$0x0];
	s2 =	stileid.u32  }
0xf6: {  	s1 =	rddreg [dreg:$0x1];
	p0 =	sne.s32 s2, $0x0  }
0xf7: {  	s3 =	rddreg [dreg:$0x2];
	[bflag:$0x3] =	sbarrier.arrive $0xFFFF;
	s2 =	simm.s32 @!p0 $0x1C02  }
0xf8: {  	[timem:s3], [sflag:s2] =	dma.local @!p0 [hbm:s0], s1  }
0xf9: {  	s0 =	simm.s32 @!p0 $0x2  }
0xfa: {  	_ =	swait.ge @!p0 [sflag:s0], s1  }
0xfb: {  	s1 =	ssub.s32 @!p0 $0x0, s1;
	[sflag:s0] =	ssyncset.done @!p0 $0x0  }
0xfc: {  	[sflag:s0] =	ssyncadd.s32 @!p0 s1  }
0xfd: {  	[bflag:$0x3] =	sbarrier.arrive $0xFFFF  }
0xfe: {  	_ =	shalt  }

// kernel: kernel.9.cloned.1.call-start
scs
__scs_entry_jumppad:
0x0: {  	(pc) =	sbr.rel $0x88, $3  }
0x1: {  	(tag) =	ssettag $0x0;
	lr =	simm.s32 $0x1  }
0x2: {  	[smem:$0x3F99] =	sst lr;
	_ =	strace $0xD0000000  }
0x3: {  	_ = 	snop  }
0x4: {  	_ = 	snop  }
0x5: {  	_ = 	snop  }
0x6: {  	_ = 	snop  }
0x7: {  	_ = 	snop  }
__scs_overlays_trampoline_lowered:
0x8: {  	[smem:$0x3FA8] =	sst s0  }
0x9: {  	[smem:$0x3FA9] =	sst s1  }
0xa: {  	[smem:$0x3FAA] =	sst s2  }
0xb: {  	[smem:$0x3FAB] =	sst s3  }
0xc: {  	[smem:$0x3FAC] =	sst s4  }
0xd: {  	[smem:$0x3FAD] =	sst s5  }
0xe: {  	[smem:$0x3FAE] =	sst s6  }
0xf: {  	[smem:$0x3FAF] =	sst s7  }
0x10: {  	[smem:$0x3FB0] =	sst s8  }
0x11: {  	[smem:$0x3FB1] =	sst s9;
	s0 =	simm.s32 @!p0 $0x0  }
0x12: {  	s1 =	sld [smem:$0x3F97];
	s0 =	simm.s32 @p0 $0x1  }
0x13: {  	[smem:$0x3FB2] =	sst s0;
	s0 =	simm.s32 @!p1 $0x0  }
0x14: {  	s2 =	sld [smem:$0x3F96];
	s0 =	simm.s32 @p1 $0x1  }
0x15: {  	[smem:$0x3FB3] =	sst s0;
	s0 =	simm.s32 @!p2 $0x0  }
0x16: {  	s3 =	sld [smem:$0x3FDB];
	s0 =	simm.s32 @p2 $0x1  }
0x17: {  	s4 =	simm.s32 $0x1BF5;
	[smem:$0x3FB5] =	sst s0  }
0x18: {  	s0 =	sld [smem:$0x3F98];
	_ =	swait.ge [sflag:s4], $0x0  }
0x19: {  	s7 =	sld [smem:$0x3F99]  }
0x1a: {  	s8 =	sadd.s32 $0xFFFFE003, lr  }
0x1b: {  	s9 =	sadd.s32 $0xFFFFFEF7, lr;
	s5 =	simm.s32 $0xFFFFFFFF;
	p2 =	slt.u32 s8, $0xFFFFF086  }
0x1c: {  	p1 =	slt.u32 s9, $0xF7A;
	s5 =	simm.s32 @!p2 $0x0  }
0x1d: {  	s5 =	simm.s32 @p1 $0x1;
	p0 =	seq.s32 s7, s2  }
0x1e: {  	s7 =	smul.u32 @!p0 $0xF7A, s2;
	p2 =	seq.s32 @!p0 s5, $0x0  }
0x1f: {  	s9 =	smul.u32 $0xF7A, s1;
	s8 =	simm.s32 @!p0 $0x1BF5;
	p2 =	por !p2, p0  }
0x20: {  	[sflag:s8] =	ssyncset.s32 @!p0 $0xFFFFF086;
	s6 =	sadd.s32 @!p0 s3, s7;
	s7 =	simm.s32 @!p0 $0x108  }
0x21: {  	s3 =	sadd.s32 s3, s9;
	s6 =	sadd.s32 @!p0 $0x88, s6;
	s7 =	simm.s32 @p2 $0x1082  }
0x22: {  	[simem:s7], [sflag:s8] =	dma.local @!p0 [hbm:s6], $0xF7A  }
0x23: {  	s9 =	sor.u32 $0xD0000000, s2;
	s6 =	simm.s32 $0x108;
	_ =	swait.ge @!p0 [sflag:s8], $0x0  }
0x24: {  	s3 =	sadd.s32 $0x88, s3;
	s6 =	simm.s32 @!p1 $0x1082;
	[sflag:s4] =	ssyncset.s32 $0xFFFFF086  }
0x25: {  	[simem:s6], [sflag:s4] =	dma.local [hbm:s3], $0xF7A  }
0x26: {  	[smem:$0x3F99] =	sst s1;
	(tag) =	ssettag s2;
	_ =	strace s9  }
0x27: {  	s1 =	sld [smem:$0x3FA9]  }
0x28: {  	s2 =	sld [smem:$0x3FAA]  }
0x29: {  	s4 =	sld [smem:$0x3FAC]  }
0x2a: {  	p0 =	seq.s32 s5, $0x0;
	s5 =	sld [smem:$0x3FAD]  }
0x2b: {  	s6 =	sld [smem:$0x3FAE]  }
0x2c: {  	s7 =	sld [smem:$0x3FAF]  }
0x2d: {  	s3 =	simm.s32 $0x108;
	s8 =	sld [smem:$0x3FB0]  }
0x2e: {  	s3 =	simm.s32 @!p0 $0x1082;
	s9 =	sld [smem:$0x3FB1]  }
0x2f: {  	lr =	sadd.s32 s0, s3;
	s0 =	sld [smem:$0x3FA8]  }
0x30: {  	s3 =	sld [smem:$0x3FAB]  }
0x31: {  	[smem:$0x3FB4] =	sst s10  }
0x32: {  	s10 =	sld [smem:$0x3FB2];
	_ =	sdelay $0x3  }
0x33: {  	p0 =	seq.s32 s10, $0x1;
	s10 =	sld [smem:$0x3FB4];
	_ =	sdelay $0x3  }
0x34: {  	[smem:$0x3FB4] =	sst s10  }
0x35: {  	s10 =	sld [smem:$0x3FB3];
	_ =	sdelay $0x3  }
0x36: {  	p1 =	seq.s32 s10, $0x1;
	s10 =	sld [smem:$0x3FB4];
	_ =	sdelay $0x3  }
0x37: {  	[smem:$0x3FB4] =	sst s10  }
0x38: {  	s10 =	sld [smem:$0x3FB5]  }
0x39: {  	_ = 	snop;
	(pc) =	sbr.ind lr, $3  }
0x3a: {  	_ = 	snop  }
0x3b: {  	_ = 	snop  }
0x3c: {  	p2 =	seq.s32 s10, $0x1;
	s10 =	sld [smem:$0x3FB4]  }
0x3d: {  	_ =	shalt  }
0x3e: {  	_ =	shalt  }
0x3f: {  	_ =	shalt  }
0x40: {  	_ =	shalt  }
0x41: {  	_ =	shalt  }
0x42: {  	_ =	shalt  }
0x43: {  	_ =	shalt  }
0x44: {  	_ =	shalt  }
0x45: {  	_ =	shalt  }
0x46: {  	_ =	shalt  }
0x47: {  	_ =	shalt  }
0x48: {  	_ =	shalt  }
0x49: {  	_ =	shalt  }
0x4a: {  	_ =	shalt  }
0x4b: {  	_ =	shalt  }
0x4c: {  	_ =	shalt  }
0x4d: {  	_ =	shalt  }
0x4e: {  	_ =	shalt  }
0x4f: {  	_ =	shalt  }
0x50: {  	_ =	shalt  }
0x51: {  	_ =	shalt  }
0x52: {  	_ =	shalt  }
0x53: {  	_ =	shalt  }
0x54: {  	_ =	shalt  }
0x55: {  	_ =	shalt  }
0x56: {  	_ =	shalt  }
0x57: {  	_ =	shalt  }
0x58: {  	_ =	shalt  }
0x59: {  	_ =	shalt  }
0x5a: {  	_ =	shalt  }
0x5b: {  	_ =	shalt  }
0x5c: {  	_ =	shalt  }
0x5d: {  	_ =	shalt  }
0x5e: {  	_ =	shalt  }
0x5f: {  	_ =	shalt  }
0x60: {  	_ =	shalt  }
0x61: {  	_ =	shalt  }
0x62: {  	_ =	shalt  }
0x63: {  	_ =	shalt  }
0x64: {  	_ =	shalt  }
0x65: {  	_ =	shalt  }
0x66: {  	_ =	shalt  }
0x67: {  	_ =	shalt  }
0x68: {  	_ =	shalt  }
0x69: {  	_ =	shalt  }
0x6a: {  	_ =	shalt  }
0x6b: {  	_ =	shalt  }
0x6c: {  	_ =	shalt  }
0x6d: {  	_ =	shalt  }
0x6e: {  	_ =	shalt  }
0x6f: {  	_ =	shalt  }
0x70: {  	_ =	shalt  }
0x71: {  	_ =	shalt  }
0x72: {  	_ =	shalt  }
0x73: {  	_ =	shalt  }
0x74: {  	_ =	shalt  }
0x75: {  	_ =	shalt  }
0x76: {  	_ =	shalt  }
0x77: {  	_ =	shalt  }
0x78: {  	_ =	shalt  }
0x79: {  	_ =	shalt  }
0x7a: {  	_ =	shalt  }
0x7b: {  	_ =	shalt  }
0x7c: {  	_ =	shalt  }
0x7d: {  	_ =	shalt  }
0x7e: {  	_ =	shalt  }
0x7f: {  	_ =	shalt  }
0x80: {  	_ =	shalt  }
0x81: {  	_ =	shalt  }
0x82: {  	_ =	shalt  }
0x83: {  	_ =	shalt  }
0x84: {  	_ =	shalt  }
0x85: {  	_ =	shalt  }
0x86: {  	_ =	shalt  }
0x87: {  	_ =	shalt  }
.Lfunc_end0:
.L_simem_size_0:
called_computation.1_lowered:
.L_overlay_start_0:
0x88: {  	s2 =	sld [smem:$0x3FD9]  }
0x89: {  	s3 =	sld [smem:$0x3FFE];
	_ =	sdelay $0x1  }
0x8a: {  	s1 =	srdreg.scid  }
0x8b: {  	s0 =	sand.u32 $0x1, s1  }
0x8c: {  	s16 =	sshll.u32 s0, $0xA;
	s2 =	sadd.s32 s3, s2  }
0x8d: {  	s2 =	sadd.s32 s2, s16  }
0x8e: {  	[smem:$0x3FC0] =	sst s2  }
0x8f: {  	_ = 	snop  }
0x90: {  	(tm) =	ssettm $0x1  }
0x91: {  	s17 =	sld [smem:$0x3FFB];
	_ =	sdelay $0x3  }
0x92: {  	_ =	strace s17  }
0x93: {  	s2 =	sld [smem:$0x3FFC];
	_ =	sdelay $0x3  }
0x94: {  	_ =	strace s2  }
0x95: {  	s2 =	sld [smem:$0x3FFD];
	_ =	sdelay $0x3  }
0x96: {  	_ =	strace s2  }
0x97: {  	_ =	strace $0x8FFFFFFF  }
0x98: {  	s18 =	sld [smem:$0x3FDB];
	_ =	sdelay $0x1  }
0x99: {  	s19 =	simm.s32 $_scs_section_size  }
0x9a: {  	s4 =	simm.s32 $_size__tile_overlayer_lowered;
	s5 =	simm.s32 $_tile_overlayer_lowered  }
0x9b: {  	s22 =	simm.s32 $0x1BFF;
	s21 =	sshll.u32 s5, $0x1;
	s2 =	sadd.s32 s19, s18  }
0x9c: {  	s6 =	simm.s32 $0x0;
	s20 =	sshll.u32 s4, $0x1;
	s4 =	sadd.s32 s21, s2  }
0x9d: {  	[timem:s6], [sflag:s22] =	dma.local [hbm:s4], s20  }
0x9e: {  	_ =	swait.ge [sflag:s22], s20  }
0x9f: {  	s3 =	ssub.s32 $0x0, s20;
	[sflag:s22] =	ssyncset.done $0x0  }
0xa0: {  	[sflag:s22] =	ssyncadd.s32 s3;
	_ =	sdelay $0x1  }
0xa1: {  	s23 =	simm.s32 $0x1B8B  }
0xa2: {  	_ =	swait.ge [sflag:s23], $0x1  }
0xa3: {  	[sflag:s23] =	ssyncset.done $0x0  }
0xa4: {  	s25 =	simm.s32 $0x1B8E;
	s24 =	sld [smem:$0x3FFE];
	[sflag:s23] =	ssyncadd.s32 $0xFFFFFFFF  }
0xa5: {  	s26 =	simm.s32 $execute0_lowered;
	[smem:$0x3FD2] =	sst s25  }
0xa6: {  	s4 =	sshll.u32 s26, $0x1;
	_ =	strace $0x80000049;
	[dreg:$0x1] =	wrdreg $0xFFFFFFFF  }
0xa7: {  	s28 =	simm.s32 $_size_execute0_lowered;
	s2 =	sadd.s32 s2, s4;
	[dreg:$0x0] =	wrdreg $0x0  }
0xa8: {  	s4 =	sshll.u32 s28, $0x1;
	[dreg:$0x2] =	wrdreg s2  }
0xa9: {  	[dreg:$0x3] =	wrdreg s4  }
0xaa: {  	[dreg:$0x4] =	wrdreg $0xC0  }
0xab: {  	_ =	task [dreg:s6], $0x5FFFF  }
0xac: {  	[dreg:$0x1] =	wrdreg $0xFFFFFFFF  }
0xad: {  	[dreg:$0x0] =	wrdreg $0x60  }
0xae: {  	[dreg:$0x2] =	wrdreg s24  }
0xaf: {  	[dreg:$0x3] =	wrdreg $0x58000  }
0xb0: {  	[dreg:$0x4] =	wrdreg $0x9  }
0xb1: {  	_ =	task.clear_ibuf [dreg:s6], $0x5FFFF;
	_ =	strace $0x90000049  }
0xb2: {  	s29 =	simm.s32 $0x9;
	_ =	strace $0x8000004B  }
0xb3: {  	_ =	swait.ge [sflag:s29], $0x1  }
0xb4: {  	[sflag:s29] =	ssyncadd.s32 $0xFFFFFFFF  }
0xb5: {  	_ =	strace $0x9000004B  }
0xb6: {  	_ =	sfence  }
0xb7: {  	s30 =	sld [smem:$0x0];
	_ =	sdelay $0x2  }
0xb8: {  	s31 =	sshll.u32 s1, $0xD;
	s1 =	sshrl.u32 s1, $0x2  }
0xb9: {  	s3 =	sand.u32 $0x4000, s31;
	s1 =	sadd.s32 s1, s30  }
0xba: {  	s0 =	sor.u32 s3, s0;
	s1 =	sshll.u32 s1, $0x11  }
0xbb: {  	s0 =	sor.u32 s1, s0  }
0xbc: {  	s0 =	sadd.s32 $0x8F2B, s0  }
0xbd: {  	[sflag:s0] =	ssyncadd.remote.s32 $0x1  }
0xbe: {  	_ =	sfence.sel $0xFFFF  }
0xbf: {  	[dreg:$0x0] =	wrdreg $0xFFFFFFFF;
	(pc) =	sbr.abs _section_cstart, $3  }
0xc0: {  	[dreg:$0x1] =	wrdreg $0xFFFFFFFF  }
0xc1: {  	_ =	task.clear_ibuf [dreg:s6], $0x2FFFF;
	_ =	strace $0x9FFFFFFF  }
0xc2: {  	(tm) =	ssettm $0x7FFFFFFF  }
0xc3: {  	_ =	shalt  }
tec
execute0_lowered:
.L_overlay_start_1:
0x0: {  	(tag) =	ssettag $0x1  }
0x1: {  	s5 =	rddreg [dreg:$0x0]  }
0x2: {  	s1 =	rddreg [dreg:$0x1]  }
0x3: {  	s2 =	srdreg.scid;
	s0 =	rddreg [dreg:$0x2];
	s3 =	simm.s32 $0x0  }
0x4: {  	s12 =	simm.s32 $0x4F00;
	s13 =	simm.s32 $0x1;
	s6 =	sand.u32 $0x1, s2  }
0x5: {  	s16 =	simm.s32 $0x0;
	s2 =	stileid.u32;
	s7 =	smul.u32 $0x28000, s6  }
0x6: {  	[smem:$0x7FF] =	sst s3;
	s4 =	sshll.u32 s6, $0x4;
	s8 =	smul.u32 $0x2800, s2  }
0x7: {  	_ =	strace $0x8000004A;
	s10 =	smul.u32 $0xA000, s2;
	s6 =	ssub.s32 $0x2, s6  }
0x8: {  	s14 =	sshll.u32 s2, $0x6;
	s4 =	sor.u32 s2, s4;
	s31 =	sshrl.u32 s6, $0x1  }
0x9: {  	s14 =	sor.u32 $0x1C02, s14;
	s9 =	smul.u32 $0x4F0, s4;
	s4 =	sadd.s32 $0xB200, s5  }
0xa: {  	s7 =	sadd.s32 s8, s7;
	s10 =	sshrl.u32 s10, $0x2;
	s11 =	ssub.s32 s6, s31  }
0xb: {  	s15 =	sadd.s32 s8, s1;
	s7 =	sshrl.u32 s7, $0x3;
	s6 =	sadd.s32 s10, s1  }
0xc: {  	s8 =	smax.u32 s11, $0x1;
	s10 =	simm.s32 $0x5700;
	s11 =	simm.s32 $0x80  }
0xd: {  	s15 =	sshrl.u32 s15, $0x3;
	s9 =	sadd.s32 s9, s5;
	s7 =	sadd.s32 s7, s5  }
0xe: {  	v0 =	vimm.f32 $0.0e+00;
	s5 =	sadd.s32 $0x1400, s9;
	s7 =	sadd.s32 $0x10200, s7;
	s9 =	simm.s32 $0x2  }
.LBB2_1:
0xf: {  	[tilespmem:s3], [sflag:$0x2] =	stream.linear.gather [hbm4b:s5+s3], $0x2780, $0x38;
	[tilespmem:$0x8000] =	vst v63  }
0x10: {  	_ =	swait.ge [sflag:s9], $0x2780  }
0x11: {  	[sflag:s9] =	ssyncset.done $0x0  }
0x12: {  	s17 =	simm.s32 $0x0;
	[sflag:s9] =	ssyncadd.s32 $0xFFFFD880  }
0x13: {  	v1 =	vld [tilespmem:s17+$0x0];
	_ =	sdelay $0x4  }
0x14: {  	v2 =	vshrl.u32 v1, $0xE  }
0x15: {  	s19 =	simm.s32 $0x10;
	s18 =	simm.s32 $0x80;
	v1 =	vand.u32 $0x3FFF, v1;
	[tilespmem:s17+$0x0] =	vst v2  }
.LBB2_2:
0x16: {  	p0 =	sne.s32 s18, $0x9DC0;
	v2 =	vld [tilespmem:s19+$0x0];
	[tilespmem:s17+$0x2780] =	vst v1;
	s17 =	smov.u32 s19;
	_ =	sdelay $0x1  }
.Ltmp0:
0x17: {  	(pc) =	sbr.rel @p0 .LBB2_2-.Ltmp0, $3  }
0x18: {  	_ =	sdelay $0x1  }
0x19: {  	v1 =	vand.u32 $0x3FFF, v2;
	v2 =	vshrl.u32 v2, $0xE  }
0x1a: {  	s19 =	sshra.s32 s18, $0x2;
	s18 =	sadd.s32 $0x40, s18;
	[tilespmem:s17+$0x0] =	vst v2  }
0x1b: {  	v2 =	vld [tilespmem:s19+$0x0];
	_ =	sdelay $0x4  }
0x1c: {  	[tilespmem:s17+$0x2780] =	vst v1;
	v1 =	vshrl.u32 v2, $0xE  }
0x1d: {  	v2 =	vand.u32 $0x3FFF, v2;
	[tilespmem:s19+$0x0] =	vst v1  }
0x1e: {  	[tilespmem:s19+$0x2780] =	vst v2  }
0x1f: {  	[tilespmem:$0x5700] =	vst v0  }
0x20: {  	[tilespmem:$0x5710] =	vst v0  }
0x21: {  	[tilespmem:$0x5720] =	vst v0  }
0x22: {  	[tilespmem:$0x5730] =	vst v0  }
0x23: {  	[tilespmem:$0x5740] =	vst v0  }
0x24: {  	[tilespmem:$0x5750] =	vst v0  }
0x25: {  	[tilespmem:$0x5760] =	vst v0  }
0x26: {  	[tilespmem:$0x5770] =	vst v0  }
0x27: {  	[tilespmem:$0x5780] =	vst v0  }
0x28: {  	[tilespmem:$0x5790] =	vst v0  }
0x29: {  	[tilespmem:$0x57A0] =	vst v0  }
0x2a: {  	[tilespmem:$0x57B0] =	vst v0  }
0x2b: {  	[tilespmem:$0x57C0] =	vst v0  }
0x2c: {  	[tilespmem:$0x57D0] =	vst v0  }
0x2d: {  	[tilespmem:$0x57E0] =	vst v0  }
0x2e: {  	s31 =	sadd.s32 $0x0, s6;
	[tilespmem:$0x57F0] =	vst v0  }
0x2f: {  	[spmem:s31] =	stream.linear.scatter [tilespmem:s10], [sflag:$0x2], $0x100, $0x38;
	[tilespmem:$0x8000] =	vst v63  }
0x30: {  	s17 =	simm.s32 $0x400;
	_ =	swait.ge [sflag:s9], $0x100  }
.LBB2_4:
0x31: {  	s18 =	sshra.s32 s17, $0x2;
	[sflag:s9] =	ssyncset.done $0x0;
	p0 =	sne.s32 s17, $0x9C00  }
.Ltmp1:
0x32: {  	s18 =	sadd.s32 s18, s6;
	[sflag:s9] =	ssyncadd.s32 $0xFFFFFF00;
	(pc) =	sbr.rel @p0 .LBB2_4-.Ltmp1, $3  }
0x33: {  	[spmem:s18] =	stream.linear.scatter [tilespmem:s10], [sflag:$0x2], $0x100, $0x38;
	[tilespmem:$0x8000] =	vst v63  }
0x34: {  	s17 =	sadd.s32 $0x400, s17;
	_ =	sdelay $0x1  }
0x35: {  	_ =	swait.ge [sflag:s9], $0x100  }
0x36: {  	[sflag:s9] =	ssyncset.done $0x0  }
0x37: {  	[sflag:s9] =	ssyncadd.s32 $0xFFFFFF00  }
0x38: {  	s17 =	simm.s32 $0x0;
	[bflag:$0x0] =	sbarrier.arrive $0xFFFF  }
0x39: {  	[tilespmem:s12], [sflag:$0x1] =	stream.indirect.gather [hbm4b:s4+s11], $0x10, s17, s11, $0xb8;
	[tilespmem:$0x8000] =	vst v63  }
0x3a: {  	_ =	swait.ge [sflag:s13], $0x800  }
0x3b: {  	[sflag:s13] =	ssyncset.done $0x0  }
0x3c: {  	s31 =	simm.s32 $0x2780;
	[sflag:s13] =	ssyncadd.s32 $0xFFFFF800  }
0x3d: {  	[spmem:s1] =	stream.indirect.scatter.add.f32 [tilespmem:s12], [sflag:$0x2], $0x10, s31, s11, $0xb8;
	[tilespmem:$0x8000] =	vst v63  }
0x3e: {  	_ =	swait.ge [sflag:s9], $0x800  }
0x3f: {  	s18 =	simm.s32 $0x400;
	s17 =	simm.s32 $0x200;
	[sflag:s9] =	ssyncset.done $0x0  }
.LBB2_6:
0x40: {  	s19 =	sshra.s32 s17, $0x2  }
0x41: {  	[sflag:s9] =	ssyncadd.s32 $0xFFFFF800;
	s17 =	smov.u32 s18;
	s20 =	sadd.s32 $0x200, s18  }
0x42: {  	[tilespmem:s12], [sflag:$0x1] =	stream.indirect.gather [hbm4b:s4+s11], $0x10, s19, s11, $0xb8;
	[tilespmem:$0x8000] =	vst v63  }
0x43: {  	p0 =	sne.s32 s18, $0x9C00;
	_ =	swait.ge [sflag:s13], $0x800  }
.Ltmp2:
0x44: {  	[sflag:s13] =	ssyncset.done $0x0;
	(pc) =	sbr.rel @p0 .LBB2_6-.Ltmp2, $4  }
0x45: {  	s18 =	sadd.s32 $0x2780, s19;
	[sflag:s13] =	ssyncadd.s32 $0xFFFFF800  }
0x46: {  	[spmem:s1] =	stream.indirect.scatter.add.f32 [tilespmem:s12], [sflag:$0x2], $0x10, s18, s11, $0xb8;
	[tilespmem:$0x8000] =	vst v63  }
0x47: {  	_ =	swait.ge [sflag:s9], $0x800  }
0x48: {  	s18 =	smov.u32 s20;
	[sflag:s9] =	ssyncset.done $0x0  }
0x49: {  	s17 =	sshra.s32 s17, $0x2;
	[sflag:s9] =	ssyncadd.s32 $0xFFFFF800  }
0x4a: {  	[tilespmem:s12], [sflag:$0x1] =	stream.indirect.gather [hbm4b:s4+s11], $0x10, s17, s11, $0xb8;
	[tilespmem:$0x8000] =	vst v63  }
0x4b: {  	_ =	swait.ge [sflag:s13], $0x800  }
0x4c: {  	[sflag:s13] =	ssyncset.done $0x0  }
0x4d: {  	s17 =	sadd.s32 $0x2780, s17;
	[sflag:s13] =	ssyncadd.s32 $0xFFFFF800  }
0x4e: {  	[spmem:s1] =	stream.indirect.scatter.add.f32 [tilespmem:s12], [sflag:$0x2], $0x10, s17, s11, $0xb8;
	[tilespmem:$0x8000] =	vst v63  }
0x4f: {  	_ =	swait.ge [sflag:s9], $0x800  }
0x50: {  	s16 =	sadd.s32 $0x1, s16;
	[sflag:s9] =	ssyncset.done $0x0  }
0x51: {  	p0 =	sne.s32 s16, s8;
	[sflag:s9] =	ssyncadd.s32 $0xFFFFF800  }
.Ltmp3:
0x52: {  	[bflag:$0x0] =	sbarrier.arrive $0xFFFF;
	(pc) =	sbr.rel @p0 .LBB2_1-.Ltmp3, $4  }
0x53: {  	[hbm:s7], [sflag:s14] =	dma.local [spmem:s15], $0x500  }
0x54: {  	_ =	swait.ge [sflag:s9], $0x500  }
0x55: {  	[sflag:s9] =	ssyncset.done $0x0  }
0x56: {  	[sflag:s9] =	ssyncadd.s32 $0xFFFFFB00  }
0x57: {  	_ =	sfence.sel $0x180000  }
0x58: {  	[bflag:$0x0] =	sbarrier.arrive $0xFFFF  }
0x59: {  	p0 =	sne.s32 s2, $0x0;
	_ =	strace $0x9000004A  }
0x5a: {  	s0 =	sadd.s32 @!p0 $0x100000, s0;
	[bflag:$0x2] =	sbarrier.arrive $0xFFFF  }
0x5b: {  	[sflag:s0] =	ssyncadd.tile.s32 @!p0 $0x1;
	_ =	shalt  }
.Lfunc_end2:
_tile_overlayer_lowered:
.L_overlay_start_2:
0x5c: {  	(tag) =	ssettag $0x2  }
0x5d: {  	s0 =	rddreg [dreg:$0x0];
	s2 =	stileid.u32  }
0x5e: {  	s1 =	rddreg [dreg:$0x1];
	p0 =	sne.s32 s2, $0x0  }
0x5f: {  	s3 =	rddreg [dreg:$0x2];
	[bflag:$0x3] =	sbarrier.arrive $0xFFFF;
	s2 =	simm.s32 @!p0 $0x1C02  }
0x60: {  	[timem:s3], [sflag:s2] =	dma.local @!p0 [hbm:s0], s1  }
0x61: {  	s0 =	simm.s32 @!p0 $0x2  }
0x62: {  	_ =	swait.ge @!p0 [sflag:s0], s1  }
0x63: {  	s1 =	ssub.s32 @!p0 $0x0, s1;
	[sflag:s0] =	ssyncset.done @!p0 $0x0  }
0x64: {  	[sflag:s0] =	ssyncadd.s32 @!p0 s1  }
0x65: {  	[bflag:$0x3] =	sbarrier.arrive $0xFFFF  }
0x66: {  	_ =	shalt  }

</sc_bundles>
